<compile_context>
chip_gen: v7x
topology: tpu7x:2x2x1
jax: 0.10.2.dev20260603
libtpu: 0.0.44.dev20260713+nightly
codegen_flags: <defaults>
</compile_context>

<pallas_src>
import functools

import jax
import jax.numpy as jnp
from jax import lax
from jax.experimental import pallas as pl
from jax.experimental.pallas import tpu as pltpu
from jax.experimental.pallas import tpu_sc as plsc



def _make_sc_gather(V, D, B, L):
  info = plsc.get_sparse_core_info()
  NC, NS = info.num_cores, info.num_subcores
  NW = NC * NS
  n_seq = B * L
  assert n_seq % NW == 0 and B % NW == 0
  seq_per_w = n_seq // NW
  C = 1280
  assert seq_per_w % (2 * C) == 0
  n_pairs = seq_per_w // (2 * C)
  b_per_w = B // NW

  mesh = plsc.VectorSubcoreMesh(core_axis_name="c", subcore_axis_name="s")

  @functools.partial(
      pl.kernel, mesh=mesh,
      out_type=(
          jax.ShapeDtypeStruct((B, D), jnp.float32),
          jax.ShapeDtypeStruct((B, D), jnp.float32),
          jax.ShapeDtypeStruct((n_seq, D), jnp.float32),
      ),
      scratch_types=[
          pltpu.VMEM((C,), jnp.int32),
          pltpu.VMEM((C,), jnp.int32),
          pltpu.VMEM((C, D), jnp.float32),
          pltpu.VMEM((C, D), jnp.float32),
          pltpu.VMEM((b_per_w,), jnp.int32),
          pltpu.VMEM((b_per_w, D), jnp.float32),
          pltpu.SemaphoreType.DMA,
          pltpu.SemaphoreType.DMA,
      ],
      compiler_params=pltpu.CompilerParams(use_tc_tiling_on_sc=False),
  )
  def gather_k(table, uid, tid, sidx, e_user, e_tgt, seq_out,
               idx_a, idx_b, rows_a, rows_b, sid_v, srow_v, sem_a, sem_b):
    wid = lax.axis_index("s") * NC + lax.axis_index("c")
    ub = wid * b_per_w
    pltpu.sync_copy(uid.at[pl.ds(ub, b_per_w)], sid_v)
    pltpu.async_copy(table.at[sid_v], srow_v, sem_a).wait()
    pltpu.sync_copy(srow_v, e_user.at[pl.ds(ub, b_per_w)])
    pltpu.sync_copy(tid.at[pl.ds(ub, b_per_w)], sid_v)
    pltpu.async_copy(table.at[sid_v], srow_v, sem_a).wait()
    pltpu.sync_copy(srow_v, e_tgt.at[pl.ds(ub, b_per_w)])

    sb = wid * seq_per_w
    last = sb + seq_per_w - C

    pltpu.sync_copy(sidx.at[pl.ds(sb, C)], idx_a)
    ga0 = pltpu.async_copy(table.at[idx_a], rows_a, sem_a)

    def body(j, carry):
      c0 = sb + (2 * j) * C
      c1 = c0 + C
      c2 = jnp.minimum(c0 + 2 * C, last)
      pltpu.sync_copy(sidx.at[pl.ds(c1, C)], idx_b)
      gb = pltpu.async_copy(table.at[idx_b], rows_b, sem_b)
      pltpu.make_async_copy(table.at[idx_a], rows_a, sem_a).wait()
      pltpu.sync_copy(rows_a, seq_out.at[pl.ds(c0, C)])
      pltpu.sync_copy(sidx.at[pl.ds(c2, C)], idx_a)
      pltpu.async_copy(table.at[idx_a], rows_a, sem_a)
      gb.wait()
      pltpu.sync_copy(rows_b, seq_out.at[pl.ds(c1, C)])
      return carry

    lax.fori_loop(0, n_pairs, body, 0)
    pltpu.make_async_copy(table.at[idx_a], rows_a, sem_a).wait()

  return gather_k



def _make_tc_att_mlp(B, L, D, H1, H2, Bb, P):
  grid = (B // Bb,)
  LP = L // P
  DP = P * D

  def body(uid_ref, tid_ref, padf_ref, attb_ref, eu_ref, et_ref, seq_ref,
           W1_ref, b1_ref, W2_ref, b2_ref, W3_ref, b3_ref,
           BAs_ref, BAm_ref, cAt_ref, ab1_ref, BA2_ref, ab2_ref,
           E_ref, F_ref, out_ref):
    M = Bb * LP
    S = seq_ref[...]
    padf = padf_ref[...]
    mexp = jnp.dot(padf.reshape(M, P), E_ref[...],
                   preferred_element_type=jnp.float32)
    S = S * mexp
    eu = jnp.where(uid_ref[...] != 0, eu_ref[...], 0.0)
    et = jnp.where(tid_ref[...] != 0, et_ref[...], 0.0)
    et4 = jnp.concatenate([et] * P, axis=1)
    T = jnp.broadcast_to(et4[:, None, :], (Bb, LP, DP)).reshape(M, DP)
    c = jnp.dot(et, cAt_ref[...], preferred_element_type=jnp.float32)
    c = c + ab1_ref[...][None, :]
    C2 = jnp.broadcast_to(c[:, None, :], (Bb, LP, DP)).reshape(M, DP)
    h = jnp.dot(S, BAs_ref[...], preferred_element_type=jnp.float32)
    h = h + jnp.dot(S * T, BAm_ref[...], preferred_element_type=jnp.float32)
    h = jnp.maximum(h + C2, 0.0)
    lg = jnp.dot(h, BA2_ref[...], preferred_element_type=jnp.float32)
    lg = (lg + ab2_ref[...][None, :]).reshape(Bb, LP, P)
    e = jnp.exp(lg + attb_ref[...])
    s = jnp.sum(jnp.sum(e, axis=2, keepdims=True), axis=1, keepdims=True)
    we = jnp.dot(e.reshape(M, P), E_ref[...],
                 preferred_element_type=jnp.float32)
    ap = jnp.sum((we * S).reshape(Bb, LP, DP), axis=1)
    att = jnp.dot(ap, F_ref[...], preferred_element_type=jnp.float32)
    att = att / s[:, :, 0]
    x = jnp.concatenate([eu, et, att], axis=1)
    x = jnp.dot(x, W1_ref[...], preferred_element_type=jnp.float32)
    x = jnp.maximum(x + b1_ref[...][None, :], 0.0)
    x = jnp.dot(x, W2_ref[...], preferred_element_type=jnp.float32)
    x = jnp.maximum(x + b2_ref[...][None, :], 0.0)
    y = jnp.dot(x, W3_ref[...], preferred_element_type=jnp.float32)
    out_ref[...] = y + b3_ref[...][None, :]

  full = lambda *shape: pl.BlockSpec(shape, lambda i: (0,) * len(shape))
  in_specs = [
      pl.BlockSpec((Bb, 1), lambda i: (i, 0)),
      pl.BlockSpec((Bb, 1), lambda i: (i, 0)),
      pl.BlockSpec((Bb, LP, P), lambda i: (i, 0, 0)),
      pl.BlockSpec((Bb, LP, P), lambda i: (i, 0, 0)),
      pl.BlockSpec((Bb, D), lambda i: (i, 0)),
      pl.BlockSpec((Bb, D), lambda i: (i, 0)),
      pl.BlockSpec((Bb * LP, DP), lambda i: (i, 0)),
      full(3 * D, H1), full(H1), full(H1, H2), full(H2),
      full(H2, 1), full(1),
      full(DP, DP), full(DP, DP), full(D, DP), full(DP),
      full(DP, P), full(P),
      full(P, DP), full(DP, D),
  ]

  return pl.pallas_call(
      body,
      grid=grid,
      in_specs=in_specs,
      out_specs=pl.BlockSpec((Bb, 1), lambda i: (i, 0)),
      out_shape=jax.ShapeDtypeStruct((B, 1), jnp.float32),
      compiler_params=pltpu.CompilerParams(
          dimension_semantics=("arbitrary",),
      ),
  )


def _block_diagp(A, P):
  K, N = A.shape
  out = jnp.zeros((P * K, P * N), A.dtype)
  for i in range(P):
    out = out.at[i * K:(i + 1) * K, i * N:(i + 1) * N].set(A)
  return out



def kernel(user_id, target_brand_id, pay_brand_seq, pay_brand_seq_mask,
           emb, W1, b1, W2, b2, W3, b3, aW1, ab1, aW2, ab2):
  B, L = pay_brand_seq.shape
  V, D = emb.shape
  H1 = W1.shape[1]
  H2 = W2.shape[1]
  P = 4
  LP = L // P

  uid = user_id.reshape(B)
  tid = target_brand_id.reshape(B)
  sidx = pay_brand_seq.reshape(B * L)

  emb_p = lax.optimization_barrier(emb.reshape(V * D // 128, 128))
  table_lin = emb_p.reshape(V, D)

  A1, A2, A3, A4 = aW1[:D], aW1[D:2 * D], aW1[2 * D:3 * D], aW1[3 * D:]
  BAs = _block_diagp(A1 + A3, P)
  BAm = _block_diagp(A4, P)
  cAt = A2 - A3
  ab1t = jnp.tile(ab1, P)
  BA2 = _block_diagp(aW2, P)
  ab2t = jnp.tile(ab2, P)
  eye = jnp.eye(D, dtype=jnp.float32)
  E = jnp.kron(jnp.eye(P, dtype=jnp.float32), jnp.ones((1, D), jnp.float32))
  F = jnp.concatenate([eye] * P, axis=0)

  padf = (pay_brand_seq != 0).astype(jnp.float32).reshape(B, LP, P)
  attb = jnp.where(pay_brand_seq_mask == 0, -jnp.inf, 0.0
                   ).astype(jnp.float32).reshape(B, LP, P)

  gather = _make_sc_gather(V, D, B, L)
  e_user, e_tgt, seq_flat = gather(table_lin, uid, tid, sidx)
  seq_p = seq_flat.reshape(B * LP, P * D)

  tc = _make_tc_att_mlp(B, L, D, H1, H2, Bb=128, P=P)
  return tc(user_id, target_brand_id, padf, attb,
            e_user, e_tgt, seq_p,
            W1, b1, W2, b2, W3, b3,
            BAs, BAm, cAt, ab1t, BA2, ab2t, E, F)

# --- scband reference (transcript-rebuilt; emitter-appended) ---
"""Pipeline reference for scband-din-model-40114994545022 (READ-ONLY COPY).

The authoritative reference and input builder live on the scoring server;
editing this copy changes nothing except your own understanding.
"""

import jax, jax.numpy as jnp
import numpy as np

B = 16384
L = 200
V = 1000000
D = 32


def setup_inputs(seed: int = 0) -> dict:
    key = jax.random.key(seed)
    ks = jax.random.split(key, 16)
    user_id = jax.random.randint(ks[0], (B, 1), 0, V)
    target_brand_id = jax.random.randint(ks[1], (B, 1), 0, V)
    pay_brand_seq = jax.random.randint(ks[2], (B, L), 0, V)
    pay_brand_seq_mask = jax.random.randint(ks[3], (B, L), 0, 2)
    emb = jax.random.normal(ks[4], (V, D), jnp.float32) * 0.02
    W1 = jax.random.normal(ks[5], (D * 3, 512), jnp.float32) * 0.02
    b1 = jnp.zeros((512,), jnp.float32)
    W2 = jax.random.normal(ks[6], (512, 128), jnp.float32) * 0.02
    b2 = jnp.zeros((128,), jnp.float32)
    W3 = jax.random.normal(ks[7], (128, 1), jnp.float32) * 0.02
    b3 = jnp.zeros((1,), jnp.float32)
    aW1 = jax.random.normal(ks[8], (D * 4, D), jnp.float32) * 0.02
    ab1 = jnp.zeros((D,), jnp.float32)
    aW2 = jax.random.normal(ks[9], (D, 1), jnp.float32) * 0.02
    ab2 = jnp.zeros((1,), jnp.float32)
    return {"user_id": user_id, "target_brand_id": target_brand_id,
            "pay_brand_seq": pay_brand_seq, "pay_brand_seq_mask": pay_brand_seq_mask,
            "emb": emb, "W1": W1, "b1": b1, "W2": W2, "b2": b2,
            "W3": W3, "b3": b3, "aW1": aW1, "ab1": ab1, "aW2": aW2, "ab2": ab2}


def reference(user_id, target_brand_id, pay_brand_seq, pay_brand_seq_mask,
              emb, W1, b1, W2, b2, W3, b3, aW1, ab1, aW2, ab2):
    # padding_idx=0 -> embedding row 0 is zero
    table = emb.at[0].set(0.0)
    # non-sequence features: sum-pooled embedding lookups
    e_user = jnp.sum(jnp.take(table, user_id, axis=0), axis=1)          # [B, D]
    e_tgt = jnp.sum(jnp.take(table, target_brand_id, axis=0), axis=1)   # [B, D]
    # behavior sequence embedding
    seq = jnp.take(table, pay_brand_seq, axis=0)                         # [B, L, D]
    # LocalActivationUnit
    tgt = jnp.broadcast_to(e_tgt[:, None, :], seq.shape)                 # [B, L, D]
    inter = jnp.concatenate([seq, tgt, seq - tgt, seq * tgt], axis=-1)   # [B, L, 4D]
    h = jax.nn.relu(inter @ aW1 + ab1)                                   # [B, L, D]
    logits = (h @ aW2 + ab2)[..., 0]                                     # [B, L]
    logits = jnp.where(pay_brand_seq_mask == 0, -jnp.inf, logits)
    att_w = jax.nn.softmax(logits, axis=1)[..., None]                    # [B, L, 1]
    att_emb = jnp.sum(att_w * seq, axis=1)                               # [B, D]
    # concat in features_col order (non-seq feats first, then attention emb)
    x = jnp.concatenate([e_user, e_tgt, att_emb], axis=1)                # [B, 3D]
    x = jax.nn.relu(x @ W1 + b1)
    x = jax.nn.relu(x @ W2 + b2)
    x = x @ W3 + b3
    return x

if __name__ == "__main__":
    import jax
    _d = setup_inputs()
    print(jax.jit(kernel)(*tuple(_d.values())))

</pallas_src>

<mosaic_0001>
#map = affine_map<(d0, d1) -> (0, 0)>
#map1 = affine_map<(d0, d1) -> (0)>
module attributes {stable_mosaic.version = 14 : i64} {
  func.func @gather_k(%arg0: i32, %arg1: i32, %arg2: memref<1000000x32xf32, #tpu.memory_space<hbm>>, %arg3: memref<16384xi32, #tpu.memory_space<hbm>>, %arg4: memref<16384xi32, #tpu.memory_space<hbm>>, %arg5: memref<3276800xi32, #tpu.memory_space<hbm>>, %arg6: memref<16384x32xf32, #tpu.memory_space<hbm>>, %arg7: memref<16384x32xf32, #tpu.memory_space<hbm>>, %arg8: memref<3276800x32xf32, #tpu.memory_space<hbm>>, %arg9: memref<1280xi32, #tpu.memory_space<vmem>>, %arg10: memref<1280xi32, #tpu.memory_space<vmem>>, %arg11: memref<1280x32xf32, #tpu.memory_space<vmem>>, %arg12: memref<1280x32xf32, #tpu.memory_space<vmem>>, %arg13: memref<512xi32, #tpu.memory_space<vmem>>, %arg14: memref<512x32xf32, #tpu.memory_space<vmem>>, %arg15: memref<!tpu.dma_semaphore, #tpu.memory_space<semaphore_mem>>, %arg16: memref<!tpu.dma_semaphore, #tpu.memory_space<semaphore_mem>>) attributes {dimension_semantics = [#tpu.dimension_semantics<core_parallel>, #tpu.dimension_semantics<subcore_parallel>], iteration_bounds = array<i64: 2, 16>, scalar_prefetch = 0 : i64, scratch_operands = 8 : i64, tpu.core_type = #tpu.core_type<sc_vector_subcore>, window_params = [{transform_indices = #map}, {transform_indices = #map1}, {transform_indices = #map1}, {transform_indices = #map1}, {transform_indices = #map}, {transform_indices = #map}, {transform_indices = #map}]} {
    %mul3A = arith.constant 2 : i32
    %mul3A_0 = arith.muli %arg1, %mul3A : i32
    %add3A = arith.addi %mul3A_0, %arg0 : i32
    %mul3A_1 = arith.constant 512 : i32
    %mul3A_2 = arith.muli %add3A, %mul3A_1 : i32
    "tpu.region"() ({
      %run_scoped3A = tpu.sem_alloc : memref<!tpu.dma_semaphore, #tpu.memory_space<semaphore_mem>>
      %dma_start3A_29 = tpu.memref_slice %arg3[%mul3A_2] : memref<16384xi32, #tpu.memory_space<hbm>> -> memref<512xi32, #tpu.memory_space<hbm>>
      %dma_start3A_30 = tpu.memref_slice %arg3[%mul3A_2] : memref<16384xi32, #tpu.memory_space<hbm>> -> memref<512xi32, #tpu.memory_space<hbm>>
      tpu.enqueue_dma source(%dma_start3A_30 : memref<512xi32, #tpu.memory_space<hbm>>) target(%arg13 : memref<512xi32, #tpu.memory_space<vmem>>) target_semaphore(%run_scoped3A : memref<!tpu.dma_semaphore, #tpu.memory_space<semaphore_mem>>)
      %dma_wait3A_31 = tpu.memref_slice %arg3[%mul3A_2] : memref<16384xi32, #tpu.memory_space<hbm>> -> memref<512xi32, #tpu.memory_space<hbm>>
      %dma_wait3A_32 = tpu.memref_slice %arg3[%mul3A_2] : memref<16384xi32, #tpu.memory_space<hbm>> -> memref<512xi32, #tpu.memory_space<hbm>>
      tpu.wait_dma2 semaphore(%run_scoped3A : memref<!tpu.dma_semaphore, #tpu.memory_space<semaphore_mem>>) src(%dma_wait3A_32 : memref<512xi32, #tpu.memory_space<hbm>>) dst(%arg13 : memref<512xi32, #tpu.memory_space<vmem>>)
      tpu.yield
    }) : () -> ()
    %dma_start3A = arith.constant 0 : i32
    %dma_start3A_3 = arith.constant 0 : i32
    %dma_start3A_4 = tpu.memref_slice %arg2[%dma_start3A, %dma_start3A_3] : memref<1000000x32xf32, #tpu.memory_space<hbm>> -> memref<1000000x32xf32, #tpu.memory_space<hbm>>
    tpu.enqueue_indirect_dma source(%dma_start3A_4 : memref<1000000x32xf32, #tpu.memory_space<hbm>>) target(%arg14 : memref<512x32xf32, #tpu.memory_space<vmem>>) offsets(%arg13 : memref<512xi32, #tpu.memory_space<vmem>>) semaphore(%arg15 : memref<!tpu.dma_semaphore, #tpu.memory_space<semaphore_mem>>)
    %dma_wait3A = arith.constant 0 : i32
    %dma_wait3A_5 = arith.constant 0 : i32
    %dma_wait3A_6 = tpu.memref_slice %arg2[%dma_wait3A, %dma_wait3A_5] : memref<1000000x32xf32, #tpu.memory_space<hbm>> -> memref<1000000x32xf32, #tpu.memory_space<hbm>>
    tpu.wait_indirect_dma semaphore(%arg15 : memref<!tpu.dma_semaphore, #tpu.memory_space<semaphore_mem>>) src(%dma_wait3A_6 : memref<1000000x32xf32, #tpu.memory_space<hbm>>) dst(%arg14 : memref<512x32xf32, #tpu.memory_space<vmem>>)
    "tpu.region"() ({
      %run_scoped3A = tpu.sem_alloc : memref<!tpu.dma_semaphore, #tpu.memory_space<semaphore_mem>>
      %dma_start3A_29 = arith.constant 0 : i32
      %dma_start3A_30 = tpu.memref_slice %arg6[%mul3A_2, %dma_start3A_29] : memref<16384x32xf32, #tpu.memory_space<hbm>> -> memref<512x32xf32, #tpu.memory_space<hbm>>
      %dma_start3A_31 = arith.constant 0 : i32
      %dma_start3A_32 = tpu.memref_slice %arg6[%mul3A_2, %dma_start3A_31] : memref<16384x32xf32, #tpu.memory_space<hbm>> -> memref<512x32xf32, #tpu.memory_space<hbm>>
      tpu.enqueue_dma source(%arg14 : memref<512x32xf32, #tpu.memory_space<vmem>>) target(%dma_start3A_32 : memref<512x32xf32, #tpu.memory_space<hbm>>) target_semaphore(%run_scoped3A : memref<!tpu.dma_semaphore, #tpu.memory_space<semaphore_mem>>)
      %dma_wait3A_33 = arith.constant 0 : i32
      %dma_wait3A_34 = tpu.memref_slice %arg6[%mul3A_2, %dma_wait3A_33] : memref<16384x32xf32, #tpu.memory_space<hbm>> -> memref<512x32xf32, #tpu.memory_space<hbm>>
      %dma_wait3A_35 = arith.constant 0 : i32
      %dma_wait3A_36 = tpu.memref_slice %arg6[%mul3A_2, %dma_wait3A_35] : memref<16384x32xf32, #tpu.memory_space<hbm>> -> memref<512x32xf32, #tpu.memory_space<hbm>>
      tpu.wait_dma2 semaphore(%run_scoped3A : memref<!tpu.dma_semaphore, #tpu.memory_space<semaphore_mem>>) src(%arg14 : memref<512x32xf32, #tpu.memory_space<vmem>>) dst(%dma_wait3A_36 : memref<512x32xf32, #tpu.memory_space<hbm>>)
      tpu.yield
    }) : () -> ()
    "tpu.region"() ({
      %run_scoped3A = tpu.sem_alloc : memref<!tpu.dma_semaphore, #tpu.memory_space<semaphore_mem>>
      %dma_start3A_29 = tpu.memref_slice %arg4[%mul3A_2] : memref<16384xi32, #tpu.memory_space<hbm>> -> memref<512xi32, #tpu.memory_space<hbm>>
      %dma_start3A_30 = tpu.memref_slice %arg4[%mul3A_2] : memref<16384xi32, #tpu.memory_space<hbm>> -> memref<512xi32, #tpu.memory_space<hbm>>
      tpu.enqueue_dma source(%dma_start3A_30 : memref<512xi32, #tpu.memory_space<hbm>>) target(%arg13 : memref<512xi32, #tpu.memory_space<vmem>>) target_semaphore(%run_scoped3A : memref<!tpu.dma_semaphore, #tpu.memory_space<semaphore_mem>>)
      %dma_wait3A_31 = tpu.memref_slice %arg4[%mul3A_2] : memref<16384xi32, #tpu.memory_space<hbm>> -> memref<512xi32, #tpu.memory_space<hbm>>
      %dma_wait3A_32 = tpu.memref_slice %arg4[%mul3A_2] : memref<16384xi32, #tpu.memory_space<hbm>> -> memref<512xi32, #tpu.memory_space<hbm>>
      tpu.wait_dma2 semaphore(%run_scoped3A : memref<!tpu.dma_semaphore, #tpu.memory_space<semaphore_mem>>) src(%dma_wait3A_32 : memref<512xi32, #tpu.memory_space<hbm>>) dst(%arg13 : memref<512xi32, #tpu.memory_space<vmem>>)
      tpu.yield
    }) : () -> ()
    %dma_start3A_7 = arith.constant 0 : i32
    %dma_start3A_8 = arith.constant 0 : i32
    %dma_start3A_9 = tpu.memref_slice %arg2[%dma_start3A_7, %dma_start3A_8] : memref<1000000x32xf32, #tpu.memory_space<hbm>> -> memref<1000000x32xf32, #tpu.memory_space<hbm>>
    tpu.enqueue_indirect_dma source(%dma_start3A_9 : memref<1000000x32xf32, #tpu.memory_space<hbm>>) target(%arg14 : memref<512x32xf32, #tpu.memory_space<vmem>>) offsets(%arg13 : memref<512xi32, #tpu.memory_space<vmem>>) semaphore(%arg15 : memref<!tpu.dma_semaphore, #tpu.memory_space<semaphore_mem>>)
    %dma_wait3A_10 = arith.constant 0 : i32
    %dma_wait3A_11 = arith.constant 0 : i32
    %dma_wait3A_12 = tpu.memref_slice %arg2[%dma_wait3A_10, %dma_wait3A_11] : memref<1000000x32xf32, #tpu.memory_space<hbm>> -> memref<1000000x32xf32, #tpu.memory_space<hbm>>
    tpu.wait_indirect_dma semaphore(%arg15 : memref<!tpu.dma_semaphore, #tpu.memory_space<semaphore_mem>>) src(%dma_wait3A_12 : memref<1000000x32xf32, #tpu.memory_space<hbm>>) dst(%arg14 : memref<512x32xf32, #tpu.memory_space<vmem>>)
    "tpu.region"() ({
      %run_scoped3A = tpu.sem_alloc : memref<!tpu.dma_semaphore, #tpu.memory_space<semaphore_mem>>
      %dma_start3A_29 = arith.constant 0 : i32
      %dma_start3A_30 = tpu.memref_slice %arg7[%mul3A_2, %dma_start3A_29] : memref<16384x32xf32, #tpu.memory_space<hbm>> -> memref<512x32xf32, #tpu.memory_space<hbm>>
      %dma_start3A_31 = arith.constant 0 : i32
      %dma_start3A_32 = tpu.memref_slice %arg7[%mul3A_2, %dma_start3A_31] : memref<16384x32xf32, #tpu.memory_space<hbm>> -> memref<512x32xf32, #tpu.memory_space<hbm>>
      tpu.enqueue_dma source(%arg14 : memref<512x32xf32, #tpu.memory_space<vmem>>) target(%dma_start3A_32 : memref<512x32xf32, #tpu.memory_space<hbm>>) target_semaphore(%run_scoped3A : memref<!tpu.dma_semaphore, #tpu.memory_space<semaphore_mem>>)
      %dma_wait3A_33 = arith.constant 0 : i32
      %dma_wait3A_34 = tpu.memref_slice %arg7[%mul3A_2, %dma_wait3A_33] : memref<16384x32xf32, #tpu.memory_space<hbm>> -> memref<512x32xf32, #tpu.memory_space<hbm>>
      %dma_wait3A_35 = arith.constant 0 : i32
      %dma_wait3A_36 = tpu.memref_slice %arg7[%mul3A_2, %dma_wait3A_35] : memref<16384x32xf32, #tpu.memory_space<hbm>> -> memref<512x32xf32, #tpu.memory_space<hbm>>
      tpu.wait_dma2 semaphore(%run_scoped3A : memref<!tpu.dma_semaphore, #tpu.memory_space<semaphore_mem>>) src(%arg14 : memref<512x32xf32, #tpu.memory_space<vmem>>) dst(%dma_wait3A_36 : memref<512x32xf32, #tpu.memory_space<hbm>>)
      tpu.yield
    }) : () -> ()
    %mul3A_13 = arith.constant 102400 : i32
    %mul3A_14 = arith.muli %add3A, %mul3A_13 : i32
    %add3A_15 = arith.constant 102400 : i32
    %add3A_16 = arith.addi %mul3A_14, %add3A_15 : i32
    %sub3A = arith.constant 1280 : i32
    %sub3A_17 = arith.subi %add3A_16, %sub3A : i32
    "tpu.region"() ({
      %run_scoped3A = tpu.sem_alloc : memref<!tpu.dma_semaphore, #tpu.memory_space<semaphore_mem>>
      %dma_start3A_29 = tpu.memref_slice %arg5[%mul3A_14] : memref<3276800xi32, #tpu.memory_space<hbm>> -> memref<1280xi32, #tpu.memory_space<hbm>>
      %dma_start3A_30 = tpu.memref_slice %arg5[%mul3A_14] : memref<3276800xi32, #tpu.memory_space<hbm>> -> memref<1280xi32, #tpu.memory_space<hbm>>
      tpu.enqueue_dma source(%dma_start3A_30 : memref<1280xi32, #tpu.memory_space<hbm>>) target(%arg9 : memref<1280xi32, #tpu.memory_space<vmem>>) target_semaphore(%run_scoped3A : memref<!tpu.dma_semaphore, #tpu.memory_space<semaphore_mem>>)
      %dma_wait3A_31 = tpu.memref_slice %arg5[%mul3A_14] : memref<3276800xi32, #tpu.memory_space<hbm>> -> memref<1280xi32, #tpu.memory_space<hbm>>
      %dma_wait3A_32 = tpu.memref_slice %arg5[%mul3A_14] : memref<3276800xi32, #tpu.memory_space<hbm>> -> memref<1280xi32, #tpu.memory_space<hbm>>
      tpu.wait_dma2 semaphore(%run_scoped3A : memref<!tpu.dma_semaphore, #tpu.memory_space<semaphore_mem>>) src(%dma_wait3A_32 : memref<1280xi32, #tpu.memory_space<hbm>>) dst(%arg9 : memref<1280xi32, #tpu.memory_space<vmem>>)
      tpu.yield
    }) : () -> ()
    %dma_start3A_18 = arith.constant 0 : i32
    %dma_start3A_19 = arith.constant 0 : i32
    %dma_start3A_20 = tpu.memref_slice %arg2[%dma_start3A_18, %dma_start3A_19] : memref<1000000x32xf32, #tpu.memory_space<hbm>> -> memref<1000000x32xf32, #tpu.memory_space<hbm>>
    tpu.enqueue_indirect_dma source(%dma_start3A_20 : memref<1000000x32xf32, #tpu.memory_space<hbm>>) target(%arg11 : memref<1280x32xf32, #tpu.memory_space<vmem>>) offsets(%arg9 : memref<1280xi32, #tpu.memory_space<vmem>>) semaphore(%arg15 : memref<!tpu.dma_semaphore, #tpu.memory_space<semaphore_mem>>)
    %scan3A = arith.constant 0 : i32
    %scan3A_21 = arith.constant 0 : i32
    %scan3A_22 = arith.constant 40 : i32
    %scan3A_23 = arith.addi %scan3A_21, %scan3A_22 : i32
    %scan3A_24 = arith.constant 1 : i32
    scf.for %scan3A_29 = %scan3A_21 to %scan3A_23 step %scan3A_24  : i32 {
      %mul3A_30 = arith.constant 2 : i32
      %mul3A_31 = arith.muli %mul3A_30, %scan3A_29 : i32
      %mul3A_32 = arith.constant 1280 : i32
      %mul3A_33 = arith.muli %mul3A_31, %mul3A_32 : i32
      %add3A_34 = arith.addi %mul3A_14, %mul3A_33 : i32
      %add3A_35 = arith.constant 1280 : i32
      %add3A_36 = arith.addi %add3A_34, %add3A_35 : i32
      %add3A_37 = arith.constant 2560 : i32
      %add3A_38 = arith.addi %add3A_34, %add3A_37 : i32
      %min3A = arith.minsi %add3A_38, %sub3A_17 : i32
      "tpu.region"() ({
        %run_scoped3A = tpu.sem_alloc : memref<!tpu.dma_semaphore, #tpu.memory_space<semaphore_mem>>
        %dma_start3A_51 = tpu.memref_slice %arg5[%add3A_36] : memref<3276800xi32, #tpu.memory_space<hbm>> -> memref<1280xi32, #tpu.memory_space<hbm>>
        %dma_start3A_52 = tpu.memref_slice %arg5[%add3A_36] : memref<3276800xi32, #tpu.memory_space<hbm>> -> memref<1280xi32, #tpu.memory_space<hbm>>
        tpu.enqueue_dma source(%dma_start3A_52 : memref<1280xi32, #tpu.memory_space<hbm>>) target(%arg10 : memref<1280xi32, #tpu.memory_space<vmem>>) target_semaphore(%run_scoped3A : memref<!tpu.dma_semaphore, #tpu.memory_space<semaphore_mem>>)
        %dma_wait3A_53 = tpu.memref_slice %arg5[%add3A_36] : memref<3276800xi32, #tpu.memory_space<hbm>> -> memref<1280xi32, #tpu.memory_space<hbm>>
        %dma_wait3A_54 = tpu.memref_slice %arg5[%add3A_36] : memref<3276800xi32, #tpu.memory_space<hbm>> -> memref<1280xi32, #tpu.memory_space<hbm>>
        tpu.wait_dma2 semaphore(%run_scoped3A : memref<!tpu.dma_semaphore, #tpu.memory_space<semaphore_mem>>) src(%dma_wait3A_54 : memref<1280xi32, #tpu.memory_space<hbm>>) dst(%arg10 : memref<1280xi32, #tpu.memory_space<vmem>>)
        tpu.yield
      }) : () -> ()
      %dma_start3A_39 = arith.constant 0 : i32
      %dma_start3A_40 = arith.constant 0 : i32
      %dma_start3A_41 = tpu.memref_slice %arg2[%dma_start3A_39, %dma_start3A_40] : memref<1000000x32xf32, #tpu.memory_space<hbm>> -> memref<1000000x32xf32, #tpu.memory_space<hbm>>
      tpu.enqueue_indirect_dma source(%dma_start3A_41 : memref<1000000x32xf32, #tpu.memory_space<hbm>>) target(%arg12 : memref<1280x32xf32, #tpu.memory_space<vmem>>) offsets(%arg10 : memref<1280xi32, #tpu.memory_space<vmem>>) semaphore(%arg16 : memref<!tpu.dma_semaphore, #tpu.memory_space<semaphore_mem>>)
      %dma_wait3A_42 = arith.constant 0 : i32
      %dma_wait3A_43 = arith.constant 0 : i32
      %dma_wait3A_44 = tpu.memref_slice %arg2[%dma_wait3A_42, %dma_wait3A_43] : memref<1000000x32xf32, #tpu.memory_space<hbm>> -> memref<1000000x32xf32, #tpu.memory_space<hbm>>
      tpu.wait_indirect_dma semaphore(%arg15 : memref<!tpu.dma_semaphore, #tpu.memory_space<semaphore_mem>>) src(%dma_wait3A_44 : memref<1000000x32xf32, #tpu.memory_space<hbm>>) dst(%arg11 : memref<1280x32xf32, #tpu.memory_space<vmem>>)
      "tpu.region"() ({
        %run_scoped3A = tpu.sem_alloc : memref<!tpu.dma_semaphore, #tpu.memory_space<semaphore_mem>>
        %dma_start3A_51 = arith.constant 0 : i32
        %dma_start3A_52 = tpu.memref_slice %arg8[%add3A_34, %dma_start3A_51] : memref<3276800x32xf32, #tpu.memory_space<hbm>> -> memref<1280x32xf32, #tpu.memory_space<hbm>>
        %dma_start3A_53 = arith.constant 0 : i32
        %dma_start3A_54 = tpu.memref_slice %arg8[%add3A_34, %dma_start3A_53] : memref<3276800x32xf32, #tpu.memory_space<hbm>> -> memref<1280x32xf32, #tpu.memory_space<hbm>>
        tpu.enqueue_dma source(%arg11 : memref<1280x32xf32, #tpu.memory_space<vmem>>) target(%dma_start3A_54 : memref<1280x32xf32, #tpu.memory_space<hbm>>) target_semaphore(%run_scoped3A : memref<!tpu.dma_semaphore, #tpu.memory_space<semaphore_mem>>)
        %dma_wait3A_55 = arith.constant 0 : i32
        %dma_wait3A_56 = tpu.memref_slice %arg8[%add3A_34, %dma_wait3A_55] : memref<3276800x32xf32, #tpu.memory_space<hbm>> -> memref<1280x32xf32, #tpu.memory_space<hbm>>
        %dma_wait3A_57 = arith.constant 0 : i32
        %dma_wait3A_58 = tpu.memref_slice %arg8[%add3A_34, %dma_wait3A_57] : memref<3276800x32xf32, #tpu.memory_space<hbm>> -> memref<1280x32xf32, #tpu.memory_space<hbm>>
        tpu.wait_dma2 semaphore(%run_scoped3A : memref<!tpu.dma_semaphore, #tpu.memory_space<semaphore_mem>>) src(%arg11 : memref<1280x32xf32, #tpu.memory_space<vmem>>) dst(%dma_wait3A_58 : memref<1280x32xf32, #tpu.memory_space<hbm>>)
        tpu.yield
      }) : () -> ()
      "tpu.region"() ({
        %run_scoped3A = tpu.sem_alloc : memref<!tpu.dma_semaphore, #tpu.memory_space<semaphore_mem>>
        %dma_start3A_51 = tpu.memref_slice %arg5[%min3A] : memref<3276800xi32, #tpu.memory_space<hbm>> -> memref<1280xi32, #tpu.memory_space<hbm>>
        %dma_start3A_52 = tpu.memref_slice %arg5[%min3A] : memref<3276800xi32, #tpu.memory_space<hbm>> -> memref<1280xi32, #tpu.memory_space<hbm>>
        tpu.enqueue_dma source(%dma_start3A_52 : memref<1280xi32, #tpu.memory_space<hbm>>) target(%arg9 : memref<1280xi32, #tpu.memory_space<vmem>>) target_semaphore(%run_scoped3A : memref<!tpu.dma_semaphore, #tpu.memory_space<semaphore_mem>>)
        %dma_wait3A_53 = tpu.memref_slice %arg5[%min3A] : memref<3276800xi32, #tpu.memory_space<hbm>> -> memref<1280xi32, #tpu.memory_space<hbm>>
        %dma_wait3A_54 = tpu.memref_slice %arg5[%min3A] : memref<3276800xi32, #tpu.memory_space<hbm>> -> memref<1280xi32, #tpu.memory_space<hbm>>
        tpu.wait_dma2 semaphore(%run_scoped3A : memref<!tpu.dma_semaphore, #tpu.memory_space<semaphore_mem>>) src(%dma_wait3A_54 : memref<1280xi32, #tpu.memory_space<hbm>>) dst(%arg9 : memref<1280xi32, #tpu.memory_space<vmem>>)
        tpu.yield
      }) : () -> ()
      %dma_start3A_45 = arith.constant 0 : i32
      %dma_start3A_46 = arith.constant 0 : i32
      %dma_start3A_47 = tpu.memref_slice %arg2[%dma_start3A_45, %dma_start3A_46] : memref<1000000x32xf32, #tpu.memory_space<hbm>> -> memref<1000000x32xf32, #tpu.memory_space<hbm>>
      tpu.enqueue_indirect_dma source(%dma_start3A_47 : memref<1000000x32xf32, #tpu.memory_space<hbm>>) target(%arg11 : memref<1280x32xf32, #tpu.memory_space<vmem>>) offsets(%arg9 : memref<1280xi32, #tpu.memory_space<vmem>>) semaphore(%arg15 : memref<!tpu.dma_semaphore, #tpu.memory_space<semaphore_mem>>)
      %dma_wait3A_48 = arith.constant 0 : i32
      %dma_wait3A_49 = arith.constant 0 : i32
      %dma_wait3A_50 = tpu.memref_slice %arg2[%dma_wait3A_48, %dma_wait3A_49] : memref<1000000x32xf32, #tpu.memory_space<hbm>> -> memref<1000000x32xf32, #tpu.memory_space<hbm>>
      tpu.wait_indirect_dma semaphore(%arg16 : memref<!tpu.dma_semaphore, #tpu.memory_space<semaphore_mem>>) src(%dma_wait3A_50 : memref<1000000x32xf32, #tpu.memory_space<hbm>>) dst(%arg12 : memref<1280x32xf32, #tpu.memory_space<vmem>>)
      "tpu.region"() ({
        %run_scoped3A = tpu.sem_alloc : memref<!tpu.dma_semaphore, #tpu.memory_space<semaphore_mem>>
        %dma_start3A_51 = arith.constant 0 : i32
        %dma_start3A_52 = tpu.memref_slice %arg8[%add3A_36, %dma_start3A_51] : memref<3276800x32xf32, #tpu.memory_space<hbm>> -> memref<1280x32xf32, #tpu.memory_space<hbm>>
        %dma_start3A_53 = arith.constant 0 : i32
        %dma_start3A_54 = tpu.memref_slice %arg8[%add3A_36, %dma_start3A_53] : memref<3276800x32xf32, #tpu.memory_space<hbm>> -> memref<1280x32xf32, #tpu.memory_space<hbm>>
        tpu.enqueue_dma source(%arg12 : memref<1280x32xf32, #tpu.memory_space<vmem>>) target(%dma_start3A_54 : memref<1280x32xf32, #tpu.memory_space<hbm>>) target_semaphore(%run_scoped3A : memref<!tpu.dma_semaphore, #tpu.memory_space<semaphore_mem>>)
        %dma_wait3A_55 = arith.constant 0 : i32
        %dma_wait3A_56 = tpu.memref_slice %arg8[%add3A_36, %dma_wait3A_55] : memref<3276800x32xf32, #tpu.memory_space<hbm>> -> memref<1280x32xf32, #tpu.memory_space<hbm>>
        %dma_wait3A_57 = arith.constant 0 : i32
        %dma_wait3A_58 = tpu.memref_slice %arg8[%add3A_36, %dma_wait3A_57] : memref<3276800x32xf32, #tpu.memory_space<hbm>> -> memref<1280x32xf32, #tpu.memory_space<hbm>>
        tpu.wait_dma2 semaphore(%run_scoped3A : memref<!tpu.dma_semaphore, #tpu.memory_space<semaphore_mem>>) src(%arg12 : memref<1280x32xf32, #tpu.memory_space<vmem>>) dst(%dma_wait3A_58 : memref<1280x32xf32, #tpu.memory_space<hbm>>)
        tpu.yield
      }) : () -> ()
    }
    %scan3A_25 = arith.constant 40 : i32
    %dma_wait3A_26 = arith.constant 0 : i32
    %dma_wait3A_27 = arith.constant 0 : i32
    %dma_wait3A_28 = tpu.memref_slice %arg2[%dma_wait3A_26, %dma_wait3A_27] : memref<1000000x32xf32, #tpu.memory_space<hbm>> -> memref<1000000x32xf32, #tpu.memory_space<hbm>>
    tpu.wait_indirect_dma semaphore(%arg15 : memref<!tpu.dma_semaphore, #tpu.memory_space<semaphore_mem>>) src(%dma_wait3A_28 : memref<1000000x32xf32, #tpu.memory_space<hbm>>) dst(%arg11 : memref<1280x32xf32, #tpu.memory_space<vmem>>)
    return
  }
}

module attributes {stable_mosaic.version = 14 : i64} {
  func.func @body(%arg0: i32, %arg1: memref<128x1xi32, #tpu.memory_space<vmem>>, %arg2: memref<128x1xi32, #tpu.memory_space<vmem>>, %arg3: memref<128x50x4xf32, #tpu.memory_space<vmem>>, %arg4: memref<128x50x4xf32, #tpu.memory_space<vmem>>, %arg5: memref<128x32xf32, #tpu.memory_space<vmem>>, %arg6: memref<128x32xf32, #tpu.memory_space<vmem>>, %arg7: memref<6400x128xf32, #tpu.memory_space<vmem>>, %arg8: memref<96x512xf32, #tpu.memory_space<vmem>>, %arg9: memref<512xf32, #tpu.memory_space<vmem>>, %arg10: memref<512x128xf32, #tpu.memory_space<vmem>>, %arg11: memref<128xf32, #tpu.memory_space<vmem>>, %arg12: memref<128x1xf32, #tpu.memory_space<vmem>>, %arg13: memref<1xf32, #tpu.memory_space<vmem>>, %arg14: memref<128x128xf32, #tpu.memory_space<vmem>>, %arg15: memref<128x128xf32, #tpu.memory_space<vmem>>, %arg16: memref<32x128xf32, #tpu.memory_space<vmem>>, %arg17: memref<128xf32, #tpu.memory_space<vmem>>, %arg18: memref<128x4xf32, #tpu.memory_space<vmem>>, %arg19: memref<4xf32, #tpu.memory_space<vmem>>, %arg20: memref<4x128xf32, #tpu.memory_space<vmem>>, %arg21: memref<128x32xf32, #tpu.memory_space<vmem>>, %arg22: memref<128x1xf32, #tpu.memory_space<vmem>>) attributes {dimension_semantics = [#tpu.dimension_semantics<arbitrary>], iteration_bounds = array<i64: 128>, scalar_prefetch = 0 : i64, scratch_operands = 0 : i64, tpu.core_type = #tpu.core_type<tc>, window_params = [{transform_indices = @transform_0, window_bounds = array<i64: 128, 1>}, {transform_indices = @transform_1, window_bounds = array<i64: 128, 1>}, {transform_indices = @transform_2, window_bounds = array<i64: 128, 50, 4>}, {transform_indices = @transform_3, window_bounds = array<i64: 128, 50, 4>}, {transform_indices = @transform_4, window_bounds = array<i64: 128, 32>}, {transform_indices = @transform_5, window_bounds = array<i64: 128, 32>}, {transform_indices = @transform_6, window_bounds = array<i64: 6400, 128>}, {pipeline_mode = #tpu.pipeline_mode<synchronous>, transform_indices = @transform_7, window_bounds = array<i64: 96, 512>}, {pipeline_mode = #tpu.pipeline_mode<synchronous>, transform_indices = @transform_8, window_bounds = array<i64: 512>}, {pipeline_mode = #tpu.pipeline_mode<synchronous>, transform_indices = @transform_9, window_bounds = array<i64: 512, 128>}, {pipeline_mode = #tpu.pipeline_mode<synchronous>, transform_indices = @transform_10, window_bounds = array<i64: 128>}, {pipeline_mode = #tpu.pipeline_mode<synchronous>, transform_indices = @transform_11, window_bounds = array<i64: 128, 1>}, {pipeline_mode = #tpu.pipeline_mode<synchronous>, transform_indices = @transform_12, window_bounds = array<i64: 1>}, {pipeline_mode = #tpu.pipeline_mode<synchronous>, transform_indices = @transform_13, window_bounds = array<i64: 128, 128>}, {pipeline_mode = #tpu.pipeline_mode<synchronous>, transform_indices = @transform_14, window_bounds = array<i64: 128, 128>}, {transform_indices = @transform_15, window_bounds = array<i64: 32, 128>}, {pipeline_mode = #tpu.pipeline_mode<synchronous>, transform_indices = @transform_16, window_bounds = array<i64: 128>}, {pipeline_mode = #tpu.pipeline_mode<synchronous>, transform_indices = @transform_17, window_bounds = array<i64: 128, 4>}, {pipeline_mode = #tpu.pipeline_mode<synchronous>, transform_indices = @transform_18, window_bounds = array<i64: 4>}, {pipeline_mode = #tpu.pipeline_mode<synchronous>, transform_indices = @transform_19, window_bounds = array<i64: 4, 128>}, {pipeline_mode = #tpu.pipeline_mode<synchronous>, transform_indices = @transform_20, window_bounds = array<i64: 128, 32>}, {transform_indices = @transform_21, window_bounds = array<i64: 128, 1>}]} {
    %get3A = arith.constant 0 : index
    %get3A_0 = arith.constant 0 : index
    %get3A_1 = vector.load %arg7[%get3A, %get3A_0] : memref<6400x128xf32, #tpu.memory_space<vmem>>, vector<6400x128xf32>
    %get3A_2 = arith.constant 0 : index
    %get3A_3 = arith.constant 0 : index
    %get3A_4 = arith.constant 0 : index
    %get3A_5 = vector.load %arg3[%get3A_2, %get3A_3, %get3A_4] : memref<128x50x4xf32, #tpu.memory_space<vmem>>, vector<128x50x4xf32>
    %reshape3A = vector.shape_cast %get3A_5 : vector<128x50x4xf32> to vector<6400x4xf32>
    %get3A_6 = arith.constant 0 : index
    %get3A_7 = arith.constant 0 : index
    %get3A_8 = vector.load %arg20[%get3A_6, %get3A_7] : memref<4x128xf32, #tpu.memory_space<vmem>>, vector<4x128xf32>
    %dot_general3A = arith.constant dense<0.000000e+00> : vector<6400x128xf32>
    %dot_general3A_9 = tpu.matmul %reshape3A, %get3A_8, %dot_general3A {dimension_numbers = #tpu.dot_dimension_numbers<[1], [0], [0], [1], [0, 0, 1, 1], [], []>, transpose_lhs_hint = false} : vector<6400x4xf32>, vector<4x128xf32>, vector<6400x128xf32> -> vector<6400x128xf32>
    %mul3A = arith.mulf %get3A_1, %dot_general3A_9 : vector<6400x128xf32>
    %get3A_10 = arith.constant 0 : index
    %get3A_11 = arith.constant 0 : index
    %get3A_12 = vector.load %arg1[%get3A_10, %get3A_11] : memref<128x1xi32, #tpu.memory_space<vmem>>, vector<128x1xi32>
    %ne3A = arith.constant 0 : i32
    %ne3A_13 = vector.broadcast %ne3A : i32 to vector<128x1xi32>
    %ne3A_14 = arith.cmpi ne, %get3A_12, %ne3A_13 : vector<128x1xi32>
    %get3A_15 = arith.constant 0 : index
    %get3A_16 = arith.constant 0 : index
    %get3A_17 = vector.load %arg5[%get3A_15, %get3A_16] : memref<128x32xf32, #tpu.memory_space<vmem>>, vector<128x32xf32>
    %jit3A = arith.constant 0.000000e+00 : f32
    %broadcast_in_dim3A = vector.shape_cast %ne3A_14 : vector<128x1xi1> to vector<128x1xi1>
    %broadcast_in_dim3A_18 = vector.broadcast %broadcast_in_dim3A : vector<128x1xi1> to vector<128x32xi1>
    %broadcast_in_dim3A_19 = vector.broadcast %jit3A : f32 to vector<128x32xf32>
    %select_n3A = arith.select %broadcast_in_dim3A_18, %get3A_17, %broadcast_in_dim3A_19 : vector<128x32xi1>, vector<128x32xf32>
    %get3A_20 = arith.constant 0 : index
    %get3A_21 = arith.constant 0 : index
    %get3A_22 = vector.load %arg2[%get3A_20, %get3A_21] : memref<128x1xi32, #tpu.memory_space<vmem>>, vector<128x1xi32>
    %ne3A_23 = arith.constant 0 : i32
    %ne3A_24 = vector.broadcast %ne3A_23 : i32 to vector<128x1xi32>
    %ne3A_25 = arith.cmpi ne, %get3A_22, %ne3A_24 : vector<128x1xi32>
    %get3A_26 = arith.constant 0 : index
    %get3A_27 = arith.constant 0 : index
    %get3A_28 = vector.load %arg6[%get3A_26, %get3A_27] : memref<128x32xf32, #tpu.memory_space<vmem>>, vector<128x32xf32>
    %jit3A_29 = arith.constant 0.000000e+00 : f32
    %broadcast_in_dim3A_30 = vector.shape_cast %ne3A_25 : vector<128x1xi1> to vector<128x1xi1>
    %broadcast_in_dim3A_31 = vector.broadcast %broadcast_in_dim3A_30 : vector<128x1xi1> to vector<128x32xi1>
    %broadcast_in_dim3A_32 = vector.broadcast %jit3A_29 : f32 to vector<128x32xf32>
    %select_n3A_33 = arith.select %broadcast_in_dim3A_31, %get3A_28, %broadcast_in_dim3A_32 : vector<128x32xi1>, vector<128x32xf32>
    %concatenate3A = tpu.concatenate %select_n3A_33, %select_n3A_33, %select_n3A_33, %select_n3A_33 in 1 : vector<128x32xf32>, vector<128x32xf32>, vector<128x32xf32>, vector<128x32xf32> -> vector<128x128xf32>
    %broadcast_in_dim3A_34 = vector.shape_cast %concatenate3A : vector<128x128xf32> to vector<128x1x128xf32>
    %broadcast_in_dim3A_35 = vector.shape_cast %broadcast_in_dim3A_34 : vector<128x1x128xf32> to vector<128x1x128xf32>
    %broadcast_in_dim3A_36 = vector.broadcast %broadcast_in_dim3A_35 : vector<128x1x128xf32> to vector<128x50x128xf32>
    %reshape3A_37 = vector.shape_cast %broadcast_in_dim3A_36 : vector<128x50x128xf32> to vector<6400x128xf32>
    %get3A_38 = arith.constant 0 : index
    %get3A_39 = arith.constant 0 : index
    %get3A_40 = vector.load %arg16[%get3A_38, %get3A_39] : memref<32x128xf32, #tpu.memory_space<vmem>>, vector<32x128xf32>
    %dot_general3A_41 = arith.constant dense<0.000000e+00> : vector<128x128xf32>
    %dot_general3A_42 = tpu.matmul %select_n3A_33, %get3A_40, %dot_general3A_41 {dimension_numbers = #tpu.dot_dimension_numbers<[1], [0], [0], [1], [0, 0, 1, 1], [], []>, transpose_lhs_hint = false} : vector<128x32xf32>, vector<32x128xf32>, vector<128x128xf32> -> vector<128x128xf32>
    %get3A_43 = arith.constant 0 : index
    %get3A_44 = vector.load %arg17[%get3A_43] : memref<128xf32, #tpu.memory_space<vmem>>, vector<128xf32>
    %broadcast_in_dim3A_45 = vector.shape_cast %get3A_44 : vector<128xf32> to vector<1x128xf32>
    %add3A = vector.broadcast %broadcast_in_dim3A_45 : vector<1x128xf32> to vector<128x128xf32>
    %add3A_46 = arith.addf %dot_general3A_42, %add3A : vector<128x128xf32>
    %broadcast_in_dim3A_47 = vector.shape_cast %add3A_46 : vector<128x128xf32> to vector<128x1x128xf32>
    %broadcast_in_dim3A_48 = vector.shape_cast %broadcast_in_dim3A_47 : vector<128x1x128xf32> to vector<128x1x128xf32>
    %broadcast_in_dim3A_49 = vector.broadcast %broadcast_in_dim3A_48 : vector<128x1x128xf32> to vector<128x50x128xf32>
    %reshape3A_50 = vector.shape_cast %broadcast_in_dim3A_49 : vector<128x50x128xf32> to vector<6400x128xf32>
    %get3A_51 = arith.constant 0 : index
    %get3A_52 = arith.constant 0 : index
    %get3A_53 = vector.load %arg14[%get3A_51, %get3A_52] : memref<128x128xf32, #tpu.memory_space<vmem>>, vector<128x128xf32>
    %dot_general3A_54 = arith.constant dense<0.000000e+00> : vector<6400x128xf32>
    %dot_general3A_55 = tpu.matmul %mul3A, %get3A_53, %dot_general3A_54 {dimension_numbers = #tpu.dot_dimension_numbers<[1], [0], [0], [1], [0, 0, 1, 1], [], []>, transpose_lhs_hint = false} : vector<6400x128xf32>, vector<128x128xf32>, vector<6400x128xf32> -> vector<6400x128xf32>
    %mul3A_56 = arith.mulf %mul3A, %reshape3A_37 : vector<6400x128xf32>
    %get3A_57 = arith.constant 0 : index
    %get3A_58 = arith.constant 0 : index
    %get3A_59 = vector.load %arg15[%get3A_57, %get3A_58] : memref<128x128xf32, #tpu.memory_space<vmem>>, vector<128x128xf32>
    %dot_general3A_60 = arith.constant dense<0.000000e+00> : vector<6400x128xf32>
    %dot_general3A_61 = tpu.matmul %mul3A_56, %get3A_59, %dot_general3A_60 {dimension_numbers = #tpu.dot_dimension_numbers<[1], [0], [0], [1], [0, 0, 1, 1], [], []>, transpose_lhs_hint = false} : vector<6400x128xf32>, vector<128x128xf32>, vector<6400x128xf32> -> vector<6400x128xf32>
    %add3A_62 = arith.addf %dot_general3A_55, %dot_general3A_61 : vector<6400x128xf32>
    %add3A_63 = arith.addf %add3A_62, %reshape3A_50 : vector<6400x128xf32>
    %max3A = arith.constant 0.000000e+00 : f32
    %max3A_64 = vector.broadcast %max3A : f32 to vector<6400x128xf32>
    %max3A_65 = arith.maximumf %add3A_63, %max3A_64 : vector<6400x128xf32>
    %get3A_66 = arith.constant 0 : index
    %get3A_67 = arith.constant 0 : index
    %get3A_68 = vector.load %arg18[%get3A_66, %get3A_67] : memref<128x4xf32, #tpu.memory_space<vmem>>, vector<128x4xf32>
    %dot_general3A_69 = arith.constant dense<0.000000e+00> : vector<6400x4xf32>
    %dot_general3A_70 = tpu.matmul %max3A_65, %get3A_68, %dot_general3A_69 {dimension_numbers = #tpu.dot_dimension_numbers<[1], [0], [0], [1], [0, 0, 1, 1], [], []>, transpose_lhs_hint = false} : vector<6400x128xf32>, vector<128x4xf32>, vector<6400x4xf32> -> vector<6400x4xf32>
    %get3A_71 = arith.constant 0 : index
    %get3A_72 = vector.load %arg19[%get3A_71] : memref<4xf32, #tpu.memory_space<vmem>>, vector<4xf32>
    %broadcast_in_dim3A_73 = vector.shape_cast %get3A_72 : vector<4xf32> to vector<1x4xf32>
    %add3A_74 = vector.broadcast %broadcast_in_dim3A_73 : vector<1x4xf32> to vector<6400x4xf32>
    %add3A_75 = arith.addf %dot_general3A_70, %add3A_74 : vector<6400x4xf32>
    %reshape3A_76 = vector.shape_cast %add3A_75 : vector<6400x4xf32> to vector<128x50x4xf32>
    %get3A_77 = arith.constant 0 : index
    %get3A_78 = arith.constant 0 : index
    %get3A_79 = arith.constant 0 : index
    %get3A_80 = vector.load %arg4[%get3A_77, %get3A_78, %get3A_79] : memref<128x50x4xf32, #tpu.memory_space<vmem>>, vector<128x50x4xf32>
    %add3A_81 = arith.addf %reshape3A_76, %get3A_80 : vector<128x50x4xf32>
    %exp3A = math.exp %add3A_81 : vector<128x50x4xf32>
    %reduce_sum3A = arith.constant dense<0.000000e+00> : vector<128x50xf32>
    %reduce_sum3A_82 = vector.multi_reduction <add>, %exp3A, %reduce_sum3A [2] : vector<128x50x4xf32> to vector<128x50xf32>
    %broadcast_in_dim3A_83 = vector.shape_cast %reduce_sum3A_82 : vector<128x50xf32> to vector<128x50x1xf32>
    %reduce_sum3A_84 = arith.constant dense<0.000000e+00> : vector<128x1xf32>
    %reduce_sum3A_85 = vector.multi_reduction <add>, %broadcast_in_dim3A_83, %reduce_sum3A_84 [1] : vector<128x50x1xf32> to vector<128x1xf32>
    %broadcast_in_dim3A_86 = vector.shape_cast %reduce_sum3A_85 : vector<128x1xf32> to vector<128x1x1xf32>
    %reshape3A_87 = vector.shape_cast %exp3A : vector<128x50x4xf32> to vector<6400x4xf32>
    %get3A_88 = arith.constant 0 : index
    %get3A_89 = arith.constant 0 : index
    %get3A_90 = vector.load %arg20[%get3A_88, %get3A_89] : memref<4x128xf32, #tpu.memory_space<vmem>>, vector<4x128xf32>
    %dot_general3A_91 = arith.constant dense<0.000000e+00> : vector<6400x128xf32>
    %dot_general3A_92 = tpu.matmul %reshape3A_87, %get3A_90, %dot_general3A_91 {dimension_numbers = #tpu.dot_dimension_numbers<[1], [0], [0], [1], [0, 0, 1, 1], [], []>, transpose_lhs_hint = false} : vector<6400x4xf32>, vector<4x128xf32>, vector<6400x128xf32> -> vector<6400x128xf32>
    %mul3A_93 = arith.mulf %dot_general3A_92, %mul3A : vector<6400x128xf32>
    %reshape3A_94 = vector.shape_cast %mul3A_93 : vector<6400x128xf32> to vector<128x50x128xf32>
    %reduce_sum3A_95 = arith.constant dense<0.000000e+00> : vector<128x128xf32>
    %reduce_sum3A_96 = vector.multi_reduction <add>, %reshape3A_94, %reduce_sum3A_95 [1] : vector<128x50x128xf32> to vector<128x128xf32>
    %get3A_97 = arith.constant 0 : index
    %get3A_98 = arith.constant 0 : index
    %get3A_99 = vector.load %arg21[%get3A_97, %get3A_98] : memref<128x32xf32, #tpu.memory_space<vmem>>, vector<128x32xf32>
    %dot_general3A_100 = arith.constant dense<0.000000e+00> : vector<128x32xf32>
    %dot_general3A_101 = tpu.matmul %reduce_sum3A_96, %get3A_99, %dot_general3A_100 {dimension_numbers = #tpu.dot_dimension_numbers<[1], [0], [0], [1], [0, 0, 1, 1], [], []>, transpose_lhs_hint = false} : vector<128x128xf32>, vector<128x32xf32>, vector<128x32xf32> -> vector<128x32xf32>
    %squeeze3A = vector.shape_cast %broadcast_in_dim3A_86 : vector<128x1x1xf32> to vector<128x1xf32>
    %div3A = vector.broadcast %squeeze3A : vector<128x1xf32> to vector<128x32xf32>
    %div3A_102 = arith.divf %dot_general3A_101, %div3A : vector<128x32xf32>
    %concatenate3A_103 = tpu.concatenate %select_n3A, %select_n3A_33, %div3A_102 in 1 : vector<128x32xf32>, vector<128x32xf32>, vector<128x32xf32> -> vector<128x96xf32>
    %get3A_104 = arith.constant 0 : index
    %get3A_105 = arith.constant 0 : index
    %get3A_106 = vector.load %arg8[%get3A_104, %get3A_105] : memref<96x512xf32, #tpu.memory_space<vmem>>, vector<96x512xf32>
    %dot_general3A_107 = arith.constant dense<0.000000e+00> : vector<128x512xf32>
    %dot_general3A_108 = tpu.matmul %concatenate3A_103, %get3A_106, %dot_general3A_107 {dimension_numbers = #tpu.dot_dimension_numbers<[1], [0], [0], [1], [0, 0, 1, 1], [], []>, transpose_lhs_hint = false} : vector<128x96xf32>, vector<96x512xf32>, vector<128x512xf32> -> vector<128x512xf32>
    %get3A_109 = arith.constant 0 : index
    %get3A_110 = vector.load %arg9[%get3A_109] : memref<512xf32, #tpu.memory_space<vmem>>, vector<512xf32>
    %broadcast_in_dim3A_111 = vector.shape_cast %get3A_110 : vector<512xf32> to vector<1x512xf32>
    %add3A_112 = vector.broadcast %broadcast_in_dim3A_111 : vector<1x512xf32> to vector<128x512xf32>
    %add3A_113 = arith.addf %dot_general3A_108, %add3A_112 : vector<128x512xf32>
    %max3A_114 = arith.constant 0.000000e+00 : f32
    %max3A_115 = vector.broadcast %max3A_114 : f32 to vector<128x512xf32>
    %max3A_116 = arith.maximumf %add3A_113, %max3A_115 : vector<128x512xf32>
    %get3A_117 = arith.constant 0 : index
    %get3A_118 = arith.constant 0 : index
    %get3A_119 = vector.load %arg10[%get3A_117, %get3A_118] : memref<512x128xf32, #tpu.memory_space<vmem>>, vector<512x128xf32>
    %dot_general3A_120 = arith.constant dense<0.000000e+00> : vector<128x128xf32>
    %dot_general3A_121 = tpu.matmul %max3A_116, %get3A_119, %dot_general3A_120 {dimension_numbers = #tpu.dot_dimension_numbers<[1], [0], [0], [1], [0, 0, 1, 1], [], []>, transpose_lhs_hint = false} : vector<128x512xf32>, vector<512x128xf32>, vector<128x128xf32> -> vector<128x128xf32>
    %get3A_122 = arith.constant 0 : index
    %get3A_123 = vector.load %arg11[%get3A_122] : memref<128xf32, #tpu.memory_space<vmem>>, vector<128xf32>
    %broadcast_in_dim3A_124 = vector.shape_cast %get3A_123 : vector<128xf32> to vector<1x128xf32>
    %add3A_125 = vector.broadcast %broadcast_in_dim3A_124 : vector<1x128xf32> to vector<128x128xf32>
    %add3A_126 = arith.addf %dot_general3A_121, %add3A_125 : vector<128x128xf32>
    %max3A_127 = arith.constant 0.000000e+00 : f32
    %max3A_128 = vector.broadcast %max3A_127 : f32 to vector<128x128xf32>
    %max3A_129 = arith.maximumf %add3A_126, %max3A_128 : vector<128x128xf32>
    %get3A_130 = arith.constant 0 : index
    %get3A_131 = arith.constant 0 : index
    %get3A_132 = vector.load %arg12[%get3A_130, %get3A_131] : memref<128x1xf32, #tpu.memory_space<vmem>>, vector<128x1xf32>
    %dot_general3A_133 = arith.constant dense<0.000000e+00> : vector<128x1xf32>
    %dot_general3A_134 = tpu.matmul %max3A_129, %get3A_132, %dot_general3A_133 {dimension_numbers = #tpu.dot_dimension_numbers<[1], [0], [0], [1], [0, 0, 1, 1], [], []>, transpose_lhs_hint = false} : vector<128x128xf32>, vector<128x1xf32>, vector<128x1xf32> -> vector<128x1xf32>
    %get3A_135 = arith.constant 0 : index
    %get3A_136 = vector.load %arg13[%get3A_135] : memref<1xf32, #tpu.memory_space<vmem>>, vector<1xf32>
    %broadcast_in_dim3A_137 = vector.shape_cast %get3A_136 : vector<1xf32> to vector<1x1xf32>
    %add3A_138 = vector.broadcast %broadcast_in_dim3A_137 : vector<1x1xf32> to vector<128x1xf32>
    %add3A_139 = arith.addf %dot_general3A_134, %add3A_138 : vector<128x1xf32>
    %swap3A = arith.constant 0 : index
    %swap3A_140 = arith.constant 0 : index
    %swap3A_141 = vector.load %arg22[%swap3A, %swap3A_140] : memref<128x1xf32, #tpu.memory_space<vmem>>, vector<128x1xf32>
    tpu.vector_store %arg22[%swap3A, %swap3A_140], %add3A_139 {strides = array<i32>} : memref<128x1xf32, #tpu.memory_space<vmem>>, vector<128x1xf32>,
    return
  }
  func.func @transform_0(%arg0: i32) -> (i32, i32) {
    %c0_i32 = arith.constant 0 : i32
    %c0_i32_0 = arith.constant 0 : i32
    return %arg0, %c0_i32 : i32, i32
  }
  func.func @transform_1(%arg0: i32) -> (i32, i32) {
    %c0_i32 = arith.constant 0 : i32
    %c0_i32_0 = arith.constant 0 : i32
    return %arg0, %c0_i32 : i32, i32
  }
  func.func @transform_2(%arg0: i32) -> (i32, i32, i32) {
    %c0_i32 = arith.constant 0 : i32
    %c0_i32_0 = arith.constant 0 : i32
    %c0_i32_1 = arith.constant 0 : i32
    return %arg0, %c0_i32, %c0_i32_0 : i32, i32, i32
  }
  func.func @transform_3(%arg0: i32) -> (i32, i32, i32) {
    %c0_i32 = arith.constant 0 : i32
    %c0_i32_0 = arith.constant 0 : i32
    %c0_i32_1 = arith.constant 0 : i32
    return %arg0, %c0_i32, %c0_i32_0 : i32, i32, i32
  }
  func.func @transform_4(%arg0: i32) -> (i32, i32) {
    %c0_i32 = arith.constant 0 : i32
    %c0_i32_0 = arith.constant 0 : i32
    return %arg0, %c0_i32 : i32, i32
  }
  func.func @transform_5(%arg0: i32) -> (i32, i32) {
    %c0_i32 = arith.constant 0 : i32
    %c0_i32_0 = arith.constant 0 : i32
    return %arg0, %c0_i32 : i32, i32
  }
  func.func @transform_6(%arg0: i32) -> (i32, i32) {
    %c0_i32 = arith.constant 0 : i32
    %c0_i32_0 = arith.constant 0 : i32
    return %arg0, %c0_i32 : i32, i32
  }
  func.func @transform_7(%arg0: i32) -> (i32, i32) {
    %c0_i32 = arith.constant 0 : i32
    %c0_i32_0 = arith.constant 0 : i32
    %c0_i32_1 = arith.constant 0 : i32
    return %c0_i32, %c0_i32_0 : i32, i32
  }
  func.func @transform_8(%arg0: i32) -> i32 {
    %c0_i32 = arith.constant 0 : i32
    %c0_i32_0 = arith.constant 0 : i32
    return %c0_i32 : i32
  }
  func.func @transform_9(%arg0: i32) -> (i32, i32) {
    %c0_i32 = arith.constant 0 : i32
    %c0_i32_0 = arith.constant 0 : i32
    %c0_i32_1 = arith.constant 0 : i32
    return %c0_i32, %c0_i32_0 : i32, i32
  }
  func.func @transform_10(%arg0: i32) -> i32 {
    %c0_i32 = arith.constant 0 : i32
    %c0_i32_0 = arith.constant 0 : i32
    return %c0_i32 : i32
  }
  func.func @transform_11(%arg0: i32) -> (i32, i32) {
    %c0_i32 = arith.constant 0 : i32
    %c0_i32_0 = arith.constant 0 : i32
    %c0_i32_1 = arith.constant 0 : i32
    return %c0_i32, %c0_i32_0 : i32, i32
  }
  func.func @transform_12(%arg0: i32) -> i32 {
    %c0_i32 = arith.constant 0 : i32
    %c0_i32_0 = arith.constant 0 : i32
    return %c0_i32 : i32
  }
  func.func @transform_13(%arg0: i32) -> (i32, i32) {
    %c0_i32 = arith.constant 0 : i32
    %c0_i32_0 = arith.constant 0 : i32
    %c0_i32_1 = arith.constant 0 : i32
    return %c0_i32, %c0_i32_0 : i32, i32
  }
  func.func @transform_14(%arg0: i32) -> (i32, i32) {
    %c0_i32 = arith.constant 0 : i32
    %c0_i32_0 = arith.constant 0 : i32
    %c0_i32_1 = arith.constant 0 : i32
    return %c0_i32, %c0_i32_0 : i32, i32
  }
  func.func @transform_15(%arg0: i32) -> (i32, i32) {
    %c0_i32 = arith.constant 0 : i32
    %c0_i32_0 = arith.constant 0 : i32
    %c0_i32_1 = arith.constant 0 : i32
    return %c0_i32, %c0_i32_0 : i32, i32
  }
  func.func @transform_16(%arg0: i32) -> i32 {
    %c0_i32 = arith.constant 0 : i32
    %c0_i32_0 = arith.constant 0 : i32
    return %c0_i32 : i32
  }
  func.func @transform_17(%arg0: i32) -> (i32, i32) {
    %c0_i32 = arith.constant 0 : i32
    %c0_i32_0 = arith.constant 0 : i32
    %c0_i32_1 = arith.constant 0 : i32
    return %c0_i32, %c0_i32_0 : i32, i32
  }
  func.func @transform_18(%arg0: i32) -> i32 {
    %c0_i32 = arith.constant 0 : i32
    %c0_i32_0 = arith.constant 0 : i32
    return %c0_i32 : i32
  }
  func.func @transform_19(%arg0: i32) -> (i32, i32) {
    %c0_i32 = arith.constant 0 : i32
    %c0_i32_0 = arith.constant 0 : i32
    %c0_i32_1 = arith.constant 0 : i32
    return %c0_i32, %c0_i32_0 : i32, i32
  }
  func.func @transform_20(%arg0: i32) -> (i32, i32) {
    %c0_i32 = arith.constant 0 : i32
    %c0_i32_0 = arith.constant 0 : i32
    %c0_i32_1 = arith.constant 0 : i32
    return %c0_i32, %c0_i32_0 : i32, i32
  }
  func.func @transform_21(%arg0: i32) -> (i32, i32) {
    %c0_i32 = arith.constant 0 : i32
    %c0_i32_0 = arith.constant 0 : i32
    return %arg0, %c0_i32 : i32, i32
  }
}

</mosaic_0001>

<sc_bundles>
// kernel: kernel.4.cloned.1.call-start
scs
__scs_entry_jumppad:
0x0: {  	(pc) =	sbr.rel $0x88, $3  }
0x1: {  	(tag) =	ssettag $0x0;
	lr =	simm.s32 $0x1  }
0x2: {  	[smem:$0x3F92] =	sst lr;
	_ =	strace $0xD0000000  }
0x3: {  	_ = 	snop  }
0x4: {  	_ = 	snop  }
0x5: {  	_ = 	snop  }
0x6: {  	_ = 	snop  }
0x7: {  	_ = 	snop  }
__scs_overlays_trampoline_lowered:
0x8: {  	[smem:$0x3FA1] =	sst s0  }
0x9: {  	[smem:$0x3FA2] =	sst s1  }
0xa: {  	[smem:$0x3FA3] =	sst s2  }
0xb: {  	[smem:$0x3FA4] =	sst s3  }
0xc: {  	[smem:$0x3FA5] =	sst s4  }
0xd: {  	[smem:$0x3FA6] =	sst s5  }
0xe: {  	[smem:$0x3FA7] =	sst s6  }
0xf: {  	[smem:$0x3FA8] =	sst s7  }
0x10: {  	[smem:$0x3FA9] =	sst s8  }
0x11: {  	[smem:$0x3FAA] =	sst s9;
	s0 =	simm.s32 @!p0 $0x0  }
0x12: {  	s1 =	sld [smem:$0x3F90];
	s0 =	simm.s32 @p0 $0x1  }
0x13: {  	[smem:$0x3FAB] =	sst s0;
	s0 =	simm.s32 @!p1 $0x0  }
0x14: {  	s2 =	sld [smem:$0x3F8F];
	s0 =	simm.s32 @p1 $0x1  }
0x15: {  	[smem:$0x3FAC] =	sst s0;
	s0 =	simm.s32 @!p2 $0x0  }
0x16: {  	s3 =	sld [smem:$0x3FDB];
	s0 =	simm.s32 @p2 $0x1  }
0x17: {  	s4 =	simm.s32 $0x1BF5;
	[smem:$0x3FAE] =	sst s0  }
0x18: {  	s0 =	sld [smem:$0x3F91];
	_ =	swait.ge [sflag:s4], $0x0  }
0x19: {  	s7 =	sld [smem:$0x3F92]  }
0x1a: {  	s8 =	sadd.s32 $0xFFFFE003, lr  }
0x1b: {  	s9 =	sadd.s32 $0xFFFFFEF7, lr;
	s5 =	simm.s32 $0xFFFFFFFF;
	p2 =	slt.u32 s8, $0xFFFFF086  }
0x1c: {  	p1 =	slt.u32 s9, $0xF7A;
	s5 =	simm.s32 @!p2 $0x0  }
0x1d: {  	s5 =	simm.s32 @p1 $0x1;
	p0 =	seq.s32 s7, s2  }
0x1e: {  	s7 =	smul.u32 @!p0 $0xF7A, s2;
	p2 =	seq.s32 @!p0 s5, $0x0  }
0x1f: {  	s9 =	smul.u32 $0xF7A, s1;
	s8 =	simm.s32 @!p0 $0x1BF5;
	p2 =	por !p2, p0  }
0x20: {  	[sflag:s8] =	ssyncset.s32 @!p0 $0xFFFFF086;
	s6 =	sadd.s32 @!p0 s3, s7;
	s7 =	simm.s32 @!p0 $0x108  }
0x21: {  	s3 =	sadd.s32 s3, s9;
	s6 =	sadd.s32 @!p0 $0x88, s6;
	s7 =	simm.s32 @p2 $0x1082  }
0x22: {  	[simem:s7], [sflag:s8] =	dma.local @!p0 [hbm:s6], $0xF7A  }
0x23: {  	s9 =	sor.u32 $0xD0000000, s2;
	s6 =	simm.s32 $0x108;
	_ =	swait.ge @!p0 [sflag:s8], $0x0  }
0x24: {  	s3 =	sadd.s32 $0x88, s3;
	s6 =	simm.s32 @!p1 $0x1082;
	[sflag:s4] =	ssyncset.s32 $0xFFFFF086  }
0x25: {  	[simem:s6], [sflag:s4] =	dma.local [hbm:s3], $0xF7A  }
0x26: {  	[smem:$0x3F92] =	sst s1;
	(tag) =	ssettag s2;
	_ =	strace s9  }
0x27: {  	s1 =	sld [smem:$0x3FA2]  }
0x28: {  	s2 =	sld [smem:$0x3FA3]  }
0x29: {  	s4 =	sld [smem:$0x3FA5]  }
0x2a: {  	p0 =	seq.s32 s5, $0x0;
	s5 =	sld [smem:$0x3FA6]  }
0x2b: {  	s6 =	sld [smem:$0x3FA7]  }
0x2c: {  	s7 =	sld [smem:$0x3FA8]  }
0x2d: {  	s3 =	simm.s32 $0x108;
	s8 =	sld [smem:$0x3FA9]  }
0x2e: {  	s3 =	simm.s32 @!p0 $0x1082;
	s9 =	sld [smem:$0x3FAA]  }
0x2f: {  	lr =	sadd.s32 s0, s3;
	s0 =	sld [smem:$0x3FA1]  }
0x30: {  	s3 =	sld [smem:$0x3FA4]  }
0x31: {  	[smem:$0x3FAD] =	sst s10  }
0x32: {  	s10 =	sld [smem:$0x3FAB];
	_ =	sdelay $0x3  }
0x33: {  	p0 =	seq.s32 s10, $0x1;
	s10 =	sld [smem:$0x3FAD];
	_ =	sdelay $0x3  }
0x34: {  	[smem:$0x3FAD] =	sst s10  }
0x35: {  	s10 =	sld [smem:$0x3FAC];
	_ =	sdelay $0x3  }
0x36: {  	p1 =	seq.s32 s10, $0x1;
	s10 =	sld [smem:$0x3FAD];
	_ =	sdelay $0x3  }
0x37: {  	[smem:$0x3FAD] =	sst s10  }
0x38: {  	s10 =	sld [smem:$0x3FAE]  }
0x39: {  	_ = 	snop;
	(pc) =	sbr.ind lr, $3  }
0x3a: {  	_ = 	snop  }
0x3b: {  	_ = 	snop  }
0x3c: {  	p2 =	seq.s32 s10, $0x1;
	s10 =	sld [smem:$0x3FAD]  }
0x3d: {  	_ =	shalt  }
0x3e: {  	_ =	shalt  }
0x3f: {  	_ =	shalt  }
0x40: {  	_ =	shalt  }
0x41: {  	_ =	shalt  }
0x42: {  	_ =	shalt  }
0x43: {  	_ =	shalt  }
0x44: {  	_ =	shalt  }
0x45: {  	_ =	shalt  }
0x46: {  	_ =	shalt  }
0x47: {  	_ =	shalt  }
0x48: {  	_ =	shalt  }
0x49: {  	_ =	shalt  }
0x4a: {  	_ =	shalt  }
0x4b: {  	_ =	shalt  }
0x4c: {  	_ =	shalt  }
0x4d: {  	_ =	shalt  }
0x4e: {  	_ =	shalt  }
0x4f: {  	_ =	shalt  }
0x50: {  	_ =	shalt  }
0x51: {  	_ =	shalt  }
0x52: {  	_ =	shalt  }
0x53: {  	_ =	shalt  }
0x54: {  	_ =	shalt  }
0x55: {  	_ =	shalt  }
0x56: {  	_ =	shalt  }
0x57: {  	_ =	shalt  }
0x58: {  	_ =	shalt  }
0x59: {  	_ =	shalt  }
0x5a: {  	_ =	shalt  }
0x5b: {  	_ =	shalt  }
0x5c: {  	_ =	shalt  }
0x5d: {  	_ =	shalt  }
0x5e: {  	_ =	shalt  }
0x5f: {  	_ =	shalt  }
0x60: {  	_ =	shalt  }
0x61: {  	_ =	shalt  }
0x62: {  	_ =	shalt  }
0x63: {  	_ =	shalt  }
0x64: {  	_ =	shalt  }
0x65: {  	_ =	shalt  }
0x66: {  	_ =	shalt  }
0x67: {  	_ =	shalt  }
0x68: {  	_ =	shalt  }
0x69: {  	_ =	shalt  }
0x6a: {  	_ =	shalt  }
0x6b: {  	_ =	shalt  }
0x6c: {  	_ =	shalt  }
0x6d: {  	_ =	shalt  }
0x6e: {  	_ =	shalt  }
0x6f: {  	_ =	shalt  }
0x70: {  	_ =	shalt  }
0x71: {  	_ =	shalt  }
0x72: {  	_ =	shalt  }
0x73: {  	_ =	shalt  }
0x74: {  	_ =	shalt  }
0x75: {  	_ =	shalt  }
0x76: {  	_ =	shalt  }
0x77: {  	_ =	shalt  }
0x78: {  	_ =	shalt  }
0x79: {  	_ =	shalt  }
0x7a: {  	_ =	shalt  }
0x7b: {  	_ =	shalt  }
0x7c: {  	_ =	shalt  }
0x7d: {  	_ =	shalt  }
0x7e: {  	_ =	shalt  }
0x7f: {  	_ =	shalt  }
0x80: {  	_ =	shalt  }
0x81: {  	_ =	shalt  }
0x82: {  	_ =	shalt  }
0x83: {  	_ =	shalt  }
0x84: {  	_ =	shalt  }
0x85: {  	_ =	shalt  }
0x86: {  	_ =	shalt  }
0x87: {  	_ =	shalt  }
.Lfunc_end0:
.L_simem_size_0:
called_computation_lowered:
.L_overlay_start_0:
0x88: {  	s2 =	sld [smem:$0x3FD9]  }
0x89: {  	s3 =	sld [smem:$0x3FFE];
	_ =	sdelay $0x1  }
0x8a: {  	s1 =	srdreg.scid  }
0x8b: {  	s0 =	sand.u32 $0x1, s1  }
0x8c: {  	s17 =	sshll.u32 s0, $0xA;
	s2 =	sadd.s32 s3, s2  }
0x8d: {  	s2 =	sadd.s32 s2, s17  }
0x8e: {  	[smem:$0x3FB9] =	sst s2  }
0x8f: {  	_ = 	snop  }
0x90: {  	s2 =	sld [smem:$0x3FC9]  }
0x91: {  	s18 =	sld [smem:$0x3FC8];
	(tm) =	ssettm $0x1  }
0x92: {  	s4 =	sld [smem:$0x3FFB];
	_ =	sdelay $0x3  }
0x93: {  	_ =	strace s4  }
0x94: {  	s4 =	sld [smem:$0x3FFC];
	_ =	sdelay $0x3  }
0x95: {  	_ =	strace s4  }
0x96: {  	s4 =	sld [smem:$0x3FFD];
	_ =	sdelay $0x3  }
0x97: {  	_ =	strace s4  }
0x98: {  	_ =	strace $0x8FFFFFFF  }
0x99: {  	s19 =	sld [smem:$0x3FDB];
	_ =	sdelay $0x1  }
0x9a: {  	s5 =	simm.s32 $_scs_section_size  }
0x9b: {  	s6 =	simm.s32 $_size__tile_overlayer_lowered;
	s7 =	simm.s32 $_tile_overlayer_lowered  }
0x9c: {  	s22 =	simm.s32 $0x1BFF;
	s21 =	sshll.u32 s7, $0x1;
	s4 =	sadd.s32 s5, s19  }
0x9d: {  	s8 =	simm.s32 $0x0;
	s20 =	sshll.u32 s6, $0x1;
	s6 =	sadd.s32 s21, s4  }
0x9e: {  	[timem:s8], [sflag:s22] =	dma.local [hbm:s6], s20  }
0x9f: {  	_ =	swait.ge [sflag:s22], s20  }
0xa0: {  	s5 =	ssub.s32 $0x0, s20;
	[sflag:s22] =	ssyncset.done $0x0  }
0xa1: {  	[sflag:s22] =	ssyncadd.s32 s5;
	_ =	sdelay $0x1  }
0xa2: {  	s23 =	simm.s32 $0x1B8B  }
0xa3: {  	_ =	swait.ge [sflag:s23], $0x1  }
0xa4: {  	[sflag:s23] =	ssyncset.done $0x0  }
0xa5: {  	s25 =	simm.s32 $0x1B8E;
	s24 =	sld [smem:$0x3FFE];
	[sflag:s23] =	ssyncadd.s32 $0xFFFFFFFF  }
0xa6: {  	s26 =	simm.s32 $execute0_lowered;
	[smem:$0x3FD2] =	sst s25  }
0xa7: {  	s6 =	sshll.u32 s26, $0x1;
	_ =	strace $0x80000046;
	[dreg:$0x1] =	wrdreg $0xFFFFFFFF  }
0xa8: {  	s28 =	simm.s32 $_size_execute0_lowered;
	s4 =	sadd.s32 s4, s6;
	[dreg:$0x0] =	wrdreg $0x0  }
0xa9: {  	s6 =	sshll.u32 s28, $0x1;
	[dreg:$0x2] =	wrdreg s4  }
0xaa: {  	[dreg:$0x3] =	wrdreg s6  }
0xab: {  	[dreg:$0x4] =	wrdreg $0xC0  }
0xac: {  	_ =	task [dreg:s8], $0x5FFFF  }
0xad: {  	[dreg:$0x1] =	wrdreg $0xFFFFFFFF  }
0xae: {  	[dreg:$0x0] =	wrdreg $0x60  }
0xaf: {  	[dreg:$0x2] =	wrdreg s24  }
0xb0: {  	[dreg:$0x3] =	wrdreg s2  }
0xb1: {  	[dreg:$0x4] =	wrdreg s18  }
0xb2: {  	[dreg:$0x5] =	wrdreg $0x9  }
0xb3: {  	_ =	task.clear_ibuf [dreg:s8], $0x6FFFF;
	_ =	strace $0x90000046  }
0xb4: {  	s29 =	simm.s32 $0x9;
	_ =	strace $0x80000048  }
0xb5: {  	_ =	swait.ge [sflag:s29], $0x1  }
0xb6: {  	[sflag:s29] =	ssyncadd.s32 $0xFFFFFFFF  }
0xb7: {  	_ =	strace $0x90000048  }
0xb8: {  	_ =	sfence  }
0xb9: {  	s30 =	sld [smem:$0x0];
	_ =	sdelay $0x2  }
0xba: {  	s31 =	sshll.u32 s1, $0xD;
	s1 =	sshrl.u32 s1, $0x2  }
0xbb: {  	s3 =	sand.u32 $0x4000, s31;
	s1 =	sadd.s32 s1, s30  }
0xbc: {  	s0 =	sor.u32 s3, s0;
	s1 =	sshll.u32 s1, $0x11  }
0xbd: {  	s0 =	sor.u32 s1, s0  }
0xbe: {  	s0 =	sadd.s32 $0x8F2B, s0  }
0xbf: {  	[sflag:s0] =	ssyncadd.remote.s32 $0x1  }
0xc0: {  	_ =	sfence.sel $0xFFFF  }
0xc1: {  	[dreg:$0x0] =	wrdreg $0xFFFFFFFF;
	(pc) =	sbr.abs _section_cstart, $3  }
0xc2: {  	[dreg:$0x1] =	wrdreg $0xFFFFFFFF  }
0xc3: {  	_ =	task.clear_ibuf [dreg:s8], $0x2FFFF;
	_ =	strace $0x9FFFFFFF  }
0xc4: {  	(tm) =	ssettm $0x7FFFFFFF  }
0xc5: {  	_ =	shalt  }
tec
execute0_lowered:
.L_overlay_start_1:
0x0: {  	(tag) =	ssettag $0x1  }
0x1: {  	s5 =	rddreg [dreg:$0x0]  }
0x2: {  	s6 =	rddreg [dreg:$0x1]  }
0x3: {  	s7 =	rddreg [dreg:$0x2]  }
0x4: {  	s0 =	rddreg [dreg:$0x3];
	s2 =	simm.s32 $0x0  }
0x5: {  	s3 =	srdreg.scid;
	s1 =	stileid.u32;
	s18 =	simm.s32 $0x200  }
0x6: {  	s19 =	simm.s32 $0x14C00;
	s20 =	simm.s32 $0x1;
	s21 =	simm.s32 $0x500  }
0x7: {  	s22 =	simm.s32 $0xA00;
	s23 =	simm.s32 $0xAA00;
	s24 =	simm.s32 $0x2  }
0x8: {  	s25 =	simm.s32 $0x0;
	[smem:$0x7FF] =	sst s2;
	s10 =	sand.u32 $0x1, s3  }
0x9: {  	s26 =	sshll.u32 s1, $0x1;
	s3 =	sadd.s32 $0xF46E00, s5;
	s13 =	smul.u32 $0xC8000, s1  }
0xa: {  	s4 =	sadd.s32 $0x4A00, s5;
	s14 =	sadd.s32 $0x88A00, s5;
	s15 =	smul.u32 $0x32000, s1  }
0xb: {  	_ =	strace $0x80000047;
	s8 =	sor.u32 s10, s26;
	s16 =	smul.u32 $0x19000, s10  }
0xc: {  	s11 =	ssub.s32 $0x2, s10;
	s17 =	smul.u32 $0x64000, s10;
	s9 =	sshll.u32 s8, $0xB  }
0xd: {  	s28 =	sshrl.u32 s11, $0x1;
	s12 =	smul.u32 $0x19000, s8;
	s8 =	sshll.u32 s8, $0x6  }
0xe: {  	s29 =	sadd.s32 s13, s14;
	s9 =	sadd.s32 s9, s5;
	s11 =	ssub.s32 s11, s28  }
0xf: {  	s5 =	sadd.s32 s6, s8;
	s7 =	sadd.s32 s7, s8;
	s30 =	sadd.s32 s16, s15  }
0x10: {  	s16 =	simm.s32 $0x14A00;
	s6 =	sadd.s32 $0x78A00, s9;
	s8 =	sadd.s32 $0x68A00, s9  }
0x11: {  	s9 =	sadd.s32 $0x18B00, s12;
	s12 =	sshrl.u32 s12, $0x3;
	s11 =	smax.u32 s11, $0x1  }
0x12: {  	s15 =	sor.u32 $0x500, s30;
	s13 =	sor.u32 $0xA00, s30;
	s10 =	sadd.s32 s4, s12  }
0x13: {  	s12 =	sadd.s32 s17, s29;
	s31 =	sshll.u32 s15, $0x2;
	s15 =	sshrl.u32 s15, $0x3  }
0x14: {  	s17 =	simm.s32 $0x3;
	s14 =	sadd.s32 s31, s14;
	s15 =	sadd.s32 s15, s4  }
.LBB2_1:
0x15: {  	[tilespmem:s16], [sflag:$0x3] =	stream.linear.gather [hbm4b:s5+s2], $0x200, $0x38;
	[tilespmem:$0x18C00] =	vst v63  }
0x16: {  	_ =	swait.ge [sflag:s17], $0x200  }
0x17: {  	[sflag:s17] =	ssyncset.done $0x0  }
0x18: {  	[sflag:s17] =	ssyncadd.s32 $0xFFFFFE00  }
0x19: {  	[tilespmem:s19], [sflag:$0x1] =	stream.indirect.gather [hbm4b:s3+s18], $0x20, s16, s18, $0xb8;
	[tilespmem:$0x18C00] =	vst v63  }
0x1a: {  	_ =	swait.ge [sflag:s20], $0x4000  }
0x1b: {  	[sflag:s20] =	ssyncset.done $0x0  }
0x1c: {  	[sflag:s20] =	ssyncadd.s32 $0xFFFFC000  }
0x1d: {  	[hbm4b:s6+s2] =	stream.linear.scatter [tilespmem:s19], [sflag:$0x3], $0x4000, $0x38;
	[tilespmem:$0x18C00] =	vst v63  }
0x1e: {  	_ =	swait.ge [sflag:s17], $0x4000  }
0x1f: {  	[sflag:s17] =	ssyncset.done $0x0  }
0x20: {  	[sflag:s17] =	ssyncadd.s32 $0xFFFFC000  }
0x21: {  	[tilespmem:s16], [sflag:$0x3] =	stream.linear.gather [hbm4b:s7+s2], $0x200, $0x38;
	[tilespmem:$0x18C00] =	vst v63  }
0x22: {  	_ =	swait.ge [sflag:s17], $0x200  }
0x23: {  	[sflag:s17] =	ssyncset.done $0x0  }
0x24: {  	[sflag:s17] =	ssyncadd.s32 $0xFFFFFE00  }
0x25: {  	[tilespmem:s19], [sflag:$0x1] =	stream.indirect.gather [hbm4b:s3+s18], $0x20, s16, s18, $0xb8;
	[tilespmem:$0x18C00] =	vst v63  }
0x26: {  	_ =	swait.ge [sflag:s20], $0x4000  }
0x27: {  	[sflag:s20] =	ssyncset.done $0x0  }
0x28: {  	[sflag:s20] =	ssyncadd.s32 $0xFFFFC000  }
0x29: {  	[hbm4b:s8+s2] =	stream.linear.scatter [tilespmem:s19], [sflag:$0x3], $0x4000, $0x38;
	[tilespmem:$0x18C00] =	vst v63  }
0x2a: {  	_ =	swait.ge [sflag:s17], $0x4000  }
0x2b: {  	[sflag:s17] =	ssyncset.done $0x0  }
0x2c: {  	[sflag:s17] =	ssyncadd.s32 $0xFFFFC000  }
0x2d: {  	[tilespmem:s2], [sflag:$0x3] =	stream.linear.gather [hbm4b:s10+s2], $0x500, $0x38;
	[tilespmem:$0x18C00] =	vst v63  }
0x2e: {  	_ =	swait.ge [sflag:s17], $0x500  }
0x2f: {  	[sflag:s17] =	ssyncset.done $0x0  }
0x30: {  	[sflag:s17] =	ssyncadd.s32 $0xFFFFFB00  }
0x31: {  	[tilespmem:s22], [sflag:$0x1] =	stream.indirect.gather [hbm4b:s3+s21], $0x20, s2, s21, $0xb8;
	[tilespmem:$0x18C00] =	vst v63  }
0x32: {  	_ = 	snop  }
0x33: {  	[tilespmem:s21], [sflag:$0x3] =	stream.linear.gather [hbm4b:s15+s2], $0x500, $0x38;
	[tilespmem:$0x18C00] =	vst v63  }
0x34: {  	_ =	swait.ge [sflag:s17], $0x500  }
0x35: {  	[sflag:s17] =	ssyncset.done $0x0  }
0x36: {  	[sflag:s17] =	ssyncadd.s32 $0xFFFFFB00  }
0x37: {  	[tilespmem:s23], [sflag:$0x2] =	stream.indirect.gather [hbm4b:s3+s21], $0x20, s21, s21, $0xb8;
	[tilespmem:$0x18C00] =	vst v63  }
0x38: {  	_ =	swait.ge [sflag:s20], $0xA000  }
0x39: {  	[sflag:s20] =	ssyncset.done $0x0  }
0x3a: {  	s26 =	sadd.s32 $0x0, s12;
	[sflag:s20] =	ssyncadd.s32 $0xFFFF6000  }
0x3b: {  	[hbm4b:s26+s2] =	stream.linear.scatter [tilespmem:s22], [sflag:$0x3], $0xA000, $0x38;
	[tilespmem:$0x18C00] =	vst v63  }
0x3c: {  	p0 =	slt.s32 s13, s9;
	s26 =	smov.u32 s9  }
0x3d: {  	s26 =	smov.u32 @p0 s13;
	_ =	swait.ge [sflag:s17], $0xA000  }
0x3e: {  	[sflag:s17] =	ssyncset.done $0x0;
	s26 =	sshrl.u32 s26, $0x3  }
0x3f: {  	[sflag:s17] =	ssyncadd.s32 $0xFFFF6000;
	s26 =	sadd.s32 s4, s26  }
0x40: {  	[tilespmem:s2], [sflag:$0x3] =	stream.linear.gather [hbm4b:s26+s2], $0x500, $0x38;
	[tilespmem:$0x18C00] =	vst v63  }
0x41: {  	_ =	swait.ge [sflag:s17], $0x500  }
0x42: {  	[sflag:s17] =	ssyncset.done $0x0  }
0x43: {  	[sflag:s17] =	ssyncadd.s32 $0xFFFFFB00  }
0x44: {  	[tilespmem:s22], [sflag:$0x1] =	stream.indirect.gather [hbm4b:s3+s21], $0x20, s2, s21, $0xb8;
	[tilespmem:$0x18C00] =	vst v63  }
0x45: {  	_ =	swait.ge [sflag:s24], $0xA000  }
0x46: {  	[sflag:s24] =	ssyncset.done $0x0  }
0x47: {  	s31 =	sadd.s32 $0x0, s14;
	[sflag:s24] =	ssyncadd.s32 $0xFFFF6000  }
0x48: {  	[hbm4b:s31+s2] =	stream.linear.scatter [tilespmem:s23], [sflag:$0x3], $0xA000, $0x38;
	[tilespmem:$0x18C00] =	vst v63  }
0x49: {  	s28 =	smov.u32 s13;
	_ =	swait.ge [sflag:s17], $0xA000  }
0x4a: {  	s29 =	smov.u32 s15;
	s26 =	simm.s32 $0x2800;
	[sflag:s17] =	ssyncset.done $0x0  }
.LBB2_2:
0x4b: {  	[sflag:s17] =	ssyncadd.s32 $0xFFFF6000  }
0x4c: {  	s28 =	sadd.s32 $0xA00, s28;
	s29 =	sadd.s32 $0x140, s29;
	s30 =	smov.u32 s26  }
0x4d: {  	[tilespmem:s21], [sflag:$0x3] =	stream.linear.gather [hbm4b:s29+s2], $0x500, $0x38;
	[tilespmem:$0x18C00] =	vst v63  }
0x4e: {  	p0 =	sne.s32 s26, $0x61800;
	s26 =	sadd.s32 $0x2800, s26;
	_ =	swait.ge [sflag:s17], $0x500  }
0x4f: {  	[sflag:s17] =	ssyncset.done $0x0  }
0x50: {  	[sflag:s17] =	ssyncadd.s32 $0xFFFFFB00  }
0x51: {  	[tilespmem:s23], [sflag:$0x2] =	stream.indirect.gather [hbm4b:s3+s21], $0x20, s21, s21, $0xb8;
	[tilespmem:$0x18C00] =	vst v63  }
0x52: {  	_ =	swait.ge [sflag:s20], $0xA000  }
0x53: {  	[sflag:s20] =	ssyncset.done $0x0  }
0x54: {  	p1 =	slt.s32 s28, s9;
	s31 =	sadd.s32 s30, s12;
	[sflag:s20] =	ssyncadd.s32 $0xFFFF6000  }
0x55: {  	[hbm4b:s31+s2] =	stream.linear.scatter [tilespmem:s22], [sflag:$0x3], $0xA000, $0x38;
	[tilespmem:$0x18C00] =	vst v63  }
0x56: {  	s31 =	smov.u32 s9  }
0x57: {  	s31 =	smov.u32 @p1 s28;
	_ =	swait.ge [sflag:s17], $0xA000  }
0x58: {  	[sflag:s17] =	ssyncset.done $0x0;
	s31 =	sshrl.u32 s31, $0x3  }
0x59: {  	[sflag:s17] =	ssyncadd.s32 $0xFFFF6000;
	s31 =	sadd.s32 s4, s31  }
0x5a: {  	[tilespmem:s2], [sflag:$0x3] =	stream.linear.gather [hbm4b:s31+s2], $0x500, $0x38;
	[tilespmem:$0x18C00] =	vst v63  }
0x5b: {  	_ =	swait.ge [sflag:s17], $0x500  }
0x5c: {  	[sflag:s17] =	ssyncset.done $0x0  }
0x5d: {  	[sflag:s17] =	ssyncadd.s32 $0xFFFFFB00  }
0x5e: {  	[tilespmem:s22], [sflag:$0x1] =	stream.indirect.gather [hbm4b:s3+s21], $0x20, s2, s21, $0xb8;
	[tilespmem:$0x18C00] =	vst v63  }
0x5f: {  	_ =	swait.ge [sflag:s24], $0xA000  }
.Ltmp0:
0x60: {  	[sflag:s24] =	ssyncset.done $0x0;
	(pc) =	sbr.rel @p0 .LBB2_2-.Ltmp0, $4  }
0x61: {  	s30 =	sadd.s32 s30, s14;
	[sflag:s24] =	ssyncadd.s32 $0xFFFF6000  }
0x62: {  	[hbm4b:s30+s2] =	stream.linear.scatter [tilespmem:s23], [sflag:$0x3], $0xA000, $0x38;
	[tilespmem:$0x18C00] =	vst v63  }
0x63: {  	_ =	swait.ge [sflag:s17], $0xA000  }
0x64: {  	[sflag:s17] =	ssyncset.done $0x0  }
0x65: {  	s25 =	sadd.s32 $0x1, s25  }
0x66: {  	p0 =	sne.s32 s25, s11  }
.Ltmp1:
0x67: {  	_ = 	snop;
	(pc) =	sbr.rel @p0 .LBB2_1-.Ltmp1, $4  }
0x68: {  	[sflag:s17] =	ssyncadd.s32 $0xFFFF6000  }
0x69: {  	_ =	swait.ge [sflag:s20], $0xA000  }
0x6a: {  	[sflag:s20] =	ssyncset.done $0x0  }
0x6b: {  	[sflag:s20] =	ssyncadd.s32 $0xFFFF6000  }
0x6c: {  	_ =	sfence.sel $0x180000  }
0x6d: {  	[bflag:$0x0] =	sbarrier.arrive $0xFFFF  }
0x6e: {  	p0 =	sne.s32 s1, $0x0;
	_ =	strace $0x90000047  }
0x6f: {  	s0 =	sadd.s32 @!p0 $0x100000, s0;
	[bflag:$0x2] =	sbarrier.arrive $0xFFFF  }
0x70: {  	[sflag:s0] =	ssyncadd.tile.s32 @!p0 $0x1;
	_ =	shalt  }
.Lfunc_end2:
_tile_overlayer_lowered:
.L_overlay_start_2:
0x71: {  	(tag) =	ssettag $0x2  }
0x72: {  	s0 =	rddreg [dreg:$0x0];
	s2 =	stileid.u32  }
0x73: {  	s1 =	rddreg [dreg:$0x1];
	p0 =	sne.s32 s2, $0x0  }
0x74: {  	s3 =	rddreg [dreg:$0x2];
	[bflag:$0x3] =	sbarrier.arrive $0xFFFF;
	s2 =	simm.s32 @!p0 $0x1C03  }
0x75: {  	[timem:s3], [sflag:s2] =	dma.local @!p0 [hbm:s0], s1  }
0x76: {  	s0 =	simm.s32 @!p0 $0x3  }
0x77: {  	_ =	swait.ge @!p0 [sflag:s0], s1  }
0x78: {  	s1 =	ssub.s32 @!p0 $0x0, s1;
	[sflag:s0] =	ssyncset.done @!p0 $0x0  }
0x79: {  	[sflag:s0] =	ssyncadd.s32 @!p0 s1  }
0x7a: {  	[bflag:$0x3] =	sbarrier.arrive $0xFFFF  }
0x7b: {  	_ =	shalt  }

</sc_bundles>
